<compile_context>
chip_gen: v7x
topology: tpu7x:2x2x1
jax: 0.10.2.dev20260603
libtpu: 0.0.44.dev20260713+nightly
codegen_flags: <defaults>
</compile_context>

<pallas_src>
import dataclasses

import jax
import jax.numpy as jnp
from jax import lax
from jax.experimental import pallas as pl
from jax.experimental.pallas import tpu as pltpu
from jax.experimental.pallas import tpu_sc as plsc

_IN_CH = 128
_OUT_CH = 64
_STEPS = 5
_PTS = 16
_LANES = 16
_NW = 32
_MAGIC = 12582912.0


def _sc_body(data_hbm, ang_hbm, out_hbm, xbuf, obuf, ang_v, ctab_v, btab_v,
             dsem):
    wid = lax.axis_index("s") * 2 + lax.axis_index("c")
    rows = out_hbm.shape[0] // _NW
    base = wid * rows
    dcp = pltpu.async_copy(data_hbm.at[pl.ds(base, rows)], xbuf, dsem)
    pltpu.sync_copy(ang_hbm, ang_v)

    for i in range(_STEPS):
        a = ang_v[i, :]
        a2 = a * a
        c = 1.0 / 201600.0
        for k in (-1.0 / 3600.0, 1.0 / 120.0, -1.0 / 10.0, 1.0 / 5.0):
            c = c * a2 + k
        ctab_v[pl.ds(i * _PTS, _PTS)] = c
        sp = 1.0 / 1814400.0
        for k in (-1.0 / 25200.0, 1.0 / 600.0, -1.0 / 30.0, 1.0 / 5.0):
            sp = sp * a2 + k
        btab_v[pl.ds(i * _PTS, _PTS)] = a * sp + 1.0
    dcp.wait()

    @pl.loop(0, rows)
    def _row(r):
        accs = []
        for ci in range(_IN_CH // _LANES):
            x = xbuf[r, pl.ds(ci * _LANES, _LANES)]
            for ix in range(_STEPS):
                t = x * (_PTS / 2.0) + (_PTS / 2.0 + _PTS * ix + _MAGIC)
                p = t - _MAGIC
                p = jnp.minimum(jnp.maximum(p, float(_PTS * ix)),
                                float(_PTS * ix + _PTS - 1))
                idx = p.astype(jnp.int32)
                c = plsc.load_gather(ctab_v, [idx])
                b = plsc.load_gather(btab_v, [idx])
                x = c + x * b
            accs.append(x)
        while len(accs) > 1:
            accs = [u + v for u, v in zip(accs[::2], accs[1::2])]
        rsum = jnp.sum(accs[0])
        splat = jnp.full((_LANES,), rsum, jnp.float32)
        for j in range(_OUT_CH // _LANES):
            obuf[r, pl.ds(j * _LANES, _LANES)] = splat

    pltpu.sync_copy(obuf, out_hbm.at[pl.ds(base, rows)])


def _tc_body(data_ref, ang_ref, out_ref):
    a = ang_ref[...]
    ctab = jnp.cos(a) / _STEPS
    stab = jnp.sin(a) / _STEPS
    skip = data_ref.shape[0] - out_ref.shape[0]
    x = data_ref[pl.ds(skip, out_ref.shape[0]), :]
    for ix in range(_STEPS):
        z = (1.0 + x) * (_PTS / 2.0)
        posf = jnp.clip(jnp.round(z), 0.0, float(_PTS - 1))
        pos = posf.astype(jnp.int32)
        cb = jnp.broadcast_to(ctab[ix][None, :], (x.shape[0], _PTS))
        sb = jnp.broadcast_to(stab[ix][None, :], (x.shape[0], _PTS))
        c = jnp.take_along_axis(cb, pos, axis=1)
        s = jnp.take_along_axis(sb, pos, axis=1)
        x = x + (c + x * s)
    r = jnp.sum(x, axis=1, keepdims=True)
    out_ref[...] = jnp.broadcast_to(r, (x.shape[0], _OUT_CH))


def kernel(data, angles):
    b = data.shape[0]
    b_sc = b // 4
    cp = pltpu.CompilerParams()
    if "needs_layout_passes" in pltpu.CompilerParams.__dataclass_fields__:
        cp = dataclasses.replace(cp, needs_layout_passes=False)
    sc_call = pl.kernel(
        _sc_body,
        out_type=jax.ShapeDtypeStruct((b_sc, _OUT_CH), jnp.float32),
        mesh=plsc.VectorSubcoreMesh(core_axis_name="c", subcore_axis_name="s"),
        scratch_types=[
            pltpu.VMEM((b_sc // _NW, _IN_CH), jnp.float32),
            pltpu.VMEM((b_sc // _NW, _OUT_CH), jnp.float32),
            pltpu.VMEM((_STEPS, _PTS), jnp.float32),
            pltpu.VMEM((_STEPS * _PTS,), jnp.float32),
            pltpu.VMEM((_STEPS * _PTS,), jnp.float32),
            pltpu.SemaphoreType.DMA,
        ],
        compiler_params=cp,
    )
    out_sc = sc_call(data, angles)
    out_tc = pl.pallas_call(
        _tc_body,
        out_shape=jax.ShapeDtypeStruct((b - b_sc, _OUT_CH), jnp.float32),
    )(data, angles)
    return jnp.concatenate([out_sc, out_tc], axis=0)

# --- scband reference (transcript-rebuilt; emitter-appended) ---
"""Pipeline reference for scband-aegflow-9689446220288 (READ-ONLY COPY).

The authoritative reference and input builder live on the scoring server;
editing this copy changes nothing except your own understanding.
"""

import jax, jax.numpy as jnp
import numpy as np

IN_CHANNELS = 128
OUT_CHANNELS = 64
NUM_STEPS = 5
NUM_POINTS = 16


def setup_inputs(seed: int = 0) -> dict:
    key = jax.random.key(seed)
    k1, k2 = jax.random.split(key)
    data = jax.random.normal(k1, (1024, IN_CHANNELS), dtype=jnp.float32)
    # angles = 2*rand(num_steps, num_points) - 1
    angles = 2.0 * jax.random.uniform(k2, (NUM_STEPS, NUM_POINTS), dtype=jnp.float32) - 1.0
    return {"data": data, "angles": angles}


def reference(data, angles):
    # data: [B, in_channels] -> [B*?, in_channels, 1] * ones(1,1,out_channels)
    x = data.reshape(-1, IN_CHANNELS, 1) * jnp.ones((1, 1, OUT_CHANNELS), dtype=data.dtype)
    for ix in range(NUM_STEPS):
        pos = jnp.round((1.0 + x) * NUM_POINTS / 2.0).astype(jnp.int32)
        pos = jnp.clip(pos, 0, NUM_POINTS - 1)
        ang = jnp.take(angles[ix], pos, axis=0)
        x = x + (jnp.cos(ang) + x * jnp.sin(ang)) / NUM_STEPS
    return jnp.sum(x, axis=1)

if __name__ == "__main__":
    import jax
    _d = setup_inputs()
    print(jax.jit(kernel)(*tuple(_d.values())))

</pallas_src>

<mosaic_0001>
#map = affine_map<(d0, d1) -> (0, 0)>
module attributes {stable_mosaic.version = 14 : i64} {
  func.func @_sc_body(%arg0: i32, %arg1: i32, %arg2: memref<1024x128xf32, #tpu.memory_space<hbm>>, %arg3: memref<5x16xf32, #tpu.memory_space<hbm>>, %arg4: memref<256x64xf32, #tpu.memory_space<hbm>>, %arg5: memref<8x128xf32, #tpu.memory_space<vmem>>, %arg6: memref<8x64xf32, #tpu.memory_space<vmem>>, %arg7: memref<5x16xf32, #tpu.memory_space<vmem>>, %arg8: memref<80xf32, #tpu.memory_space<vmem>>, %arg9: memref<80xf32, #tpu.memory_space<vmem>>, %arg10: memref<!tpu.dma_semaphore, #tpu.memory_space<semaphore_mem>>) attributes {dimension_semantics = [#tpu.dimension_semantics<core_parallel>, #tpu.dimension_semantics<subcore_parallel>], iteration_bounds = array<i64: 2, 16>, scalar_prefetch = 0 : i64, scratch_operands = 6 : i64, tpu.core_type = #tpu.core_type<sc_vector_subcore>, window_params = [{transform_indices = #map}, {transform_indices = #map}, {transform_indices = #map}]} {
    %mul3A = arith.constant 2 : i32
    %mul3A_0 = arith.muli %arg1, %mul3A : i32
    %add3A = arith.addi %mul3A_0, %arg0 : i32
    %mul3A_1 = arith.constant 8 : i32
    %mul3A_2 = arith.muli %add3A, %mul3A_1 : i32
    %dma_start3A = arith.constant 0 : i32
    %dma_start3A_3 = tpu.memref_slice %arg2[%mul3A_2, %dma_start3A] : memref<1024x128xf32, #tpu.memory_space<hbm>> -> memref<8x128xf32, #tpu.memory_space<hbm>>
    %dma_start3A_4 = arith.constant 0 : i32
    %dma_start3A_5 = tpu.memref_slice %arg2[%mul3A_2, %dma_start3A_4] : memref<1024x128xf32, #tpu.memory_space<hbm>> -> memref<8x128xf32, #tpu.memory_space<hbm>>
    tpu.enqueue_dma source(%dma_start3A_5 : memref<8x128xf32, #tpu.memory_space<hbm>>) target(%arg5 : memref<8x128xf32, #tpu.memory_space<vmem>>) target_semaphore(%arg10 : memref<!tpu.dma_semaphore, #tpu.memory_space<semaphore_mem>>)
    "tpu.region"() ({
      %run_scoped3A = tpu.sem_alloc : memref<!tpu.dma_semaphore, #tpu.memory_space<semaphore_mem>>
      tpu.enqueue_dma source(%arg3 : memref<5x16xf32, #tpu.memory_space<hbm>>) target(%arg7 : memref<5x16xf32, #tpu.memory_space<vmem>>) target_semaphore(%run_scoped3A : memref<!tpu.dma_semaphore, #tpu.memory_space<semaphore_mem>>)
      tpu.wait_dma2 semaphore(%run_scoped3A : memref<!tpu.dma_semaphore, #tpu.memory_space<semaphore_mem>>) src(%arg3 : memref<5x16xf32, #tpu.memory_space<hbm>>) dst(%arg7 : memref<5x16xf32, #tpu.memory_space<vmem>>)
      tpu.yield
    }) : () -> ()
    %get3A = arith.constant 0 : i32
    %get3A_6 = arith.index_cast %get3A : i32 to index
    %get3A_7 = arith.constant 0 : index
    %get3A_8 = tpu.vector_load %arg7[%get3A_6, %get3A_7] {strides = array<i32>} : memref<5x16xf32, #tpu.memory_space<vmem>>, vector<16xf32>,
    %mul3A_9 = arith.mulf %get3A_8, %get3A_8 : vector<16xf32>
    %mul3A_10 = arith.constant 4.96031726E-6 : f32
    %mul3A_11 = vector.broadcast %mul3A_10 : f32 to vector<16xf32>
    %mul3A_12 = arith.mulf %mul3A_11, %mul3A_9 : vector<16xf32>
    %add3A_13 = arith.constant -2.77777785E-4 : f32
    %add3A_14 = vector.broadcast %add3A_13 : f32 to vector<16xf32>
    %add3A_15 = arith.addf %mul3A_12, %add3A_14 : vector<16xf32>
    %mul3A_16 = arith.mulf %add3A_15, %mul3A_9 : vector<16xf32>
    %add3A_17 = arith.constant 0.00833333377 : f32
    %add3A_18 = vector.broadcast %add3A_17 : f32 to vector<16xf32>
    %add3A_19 = arith.addf %mul3A_16, %add3A_18 : vector<16xf32>
    %mul3A_20 = arith.mulf %add3A_19, %mul3A_9 : vector<16xf32>
    %add3A_21 = arith.constant -1.000000e-01 : f32
    %add3A_22 = vector.broadcast %add3A_21 : f32 to vector<16xf32>
    %add3A_23 = arith.addf %mul3A_20, %add3A_22 : vector<16xf32>
    %mul3A_24 = arith.mulf %add3A_23, %mul3A_9 : vector<16xf32>
    %add3A_25 = arith.constant 2.000000e-01 : f32
    %add3A_26 = vector.broadcast %add3A_25 : f32 to vector<16xf32>
    %add3A_27 = arith.addf %mul3A_24, %add3A_26 : vector<16xf32>
    %swap3A = arith.constant 0 : index
    %swap3A_28 = tpu.vector_load %arg8[%swap3A] {strides = array<i32>} : memref<80xf32, #tpu.memory_space<vmem>>, vector<16xf32>,
    tpu.vector_store %arg8[%swap3A], %add3A_27 {strides = array<i32>} : memref<80xf32, #tpu.memory_space<vmem>>, vector<16xf32>,
    %mul3A_29 = arith.constant 5.511464E-7 : f32
    %mul3A_30 = vector.broadcast %mul3A_29 : f32 to vector<16xf32>
    %mul3A_31 = arith.mulf %mul3A_30, %mul3A_9 : vector<16xf32>
    %add3A_32 = arith.constant -3.9682538E-5 : f32
    %add3A_33 = vector.broadcast %add3A_32 : f32 to vector<16xf32>
    %add3A_34 = arith.addf %mul3A_31, %add3A_33 : vector<16xf32>
    %mul3A_35 = arith.mulf %add3A_34, %mul3A_9 : vector<16xf32>
    %add3A_36 = arith.constant 0.00166666671 : f32
    %add3A_37 = vector.broadcast %add3A_36 : f32 to vector<16xf32>
    %add3A_38 = arith.addf %mul3A_35, %add3A_37 : vector<16xf32>
    %mul3A_39 = arith.mulf %add3A_38, %mul3A_9 : vector<16xf32>
    %add3A_40 = arith.constant -0.0333333351 : f32
    %add3A_41 = vector.broadcast %add3A_40 : f32 to vector<16xf32>
    %add3A_42 = arith.addf %mul3A_39, %add3A_41 : vector<16xf32>
    %mul3A_43 = arith.mulf %add3A_42, %mul3A_9 : vector<16xf32>
    %add3A_44 = arith.constant 2.000000e-01 : f32
    %add3A_45 = vector.broadcast %add3A_44 : f32 to vector<16xf32>
    %add3A_46 = arith.addf %mul3A_43, %add3A_45 : vector<16xf32>
    %mul3A_47 = arith.mulf %get3A_8, %add3A_46 : vector<16xf32>
    %add3A_48 = arith.constant 1.000000e+00 : f32
    %add3A_49 = vector.broadcast %add3A_48 : f32 to vector<16xf32>
    %add3A_50 = arith.addf %mul3A_47, %add3A_49 : vector<16xf32>
    %swap3A_51 = arith.constant 0 : index
    %swap3A_52 = tpu.vector_load %arg9[%swap3A_51] {strides = array<i32>} : memref<80xf32, #tpu.memory_space<vmem>>, vector<16xf32>,
    tpu.vector_store %arg9[%swap3A_51], %add3A_50 {strides = array<i32>} : memref<80xf32, #tpu.memory_space<vmem>>, vector<16xf32>,
    %get3A_53 = arith.constant 1 : i32
    %get3A_54 = arith.index_cast %get3A_53 : i32 to index
    %get3A_55 = arith.constant 0 : index
    %get3A_56 = tpu.vector_load %arg7[%get3A_54, %get3A_55] {strides = array<i32>} : memref<5x16xf32, #tpu.memory_space<vmem>>, vector<16xf32>,
    %mul3A_57 = arith.mulf %get3A_56, %get3A_56 : vector<16xf32>
    %mul3A_58 = arith.constant 4.96031726E-6 : f32
    %mul3A_59 = vector.broadcast %mul3A_58 : f32 to vector<16xf32>
    %mul3A_60 = arith.mulf %mul3A_59, %mul3A_57 : vector<16xf32>
    %add3A_61 = arith.constant -2.77777785E-4 : f32
    %add3A_62 = vector.broadcast %add3A_61 : f32 to vector<16xf32>
    %add3A_63 = arith.addf %mul3A_60, %add3A_62 : vector<16xf32>
    %mul3A_64 = arith.mulf %add3A_63, %mul3A_57 : vector<16xf32>
    %add3A_65 = arith.constant 0.00833333377 : f32
    %add3A_66 = vector.broadcast %add3A_65 : f32 to vector<16xf32>
    %add3A_67 = arith.addf %mul3A_64, %add3A_66 : vector<16xf32>
    %mul3A_68 = arith.mulf %add3A_67, %mul3A_57 : vector<16xf32>
    %add3A_69 = arith.constant -1.000000e-01 : f32
    %add3A_70 = vector.broadcast %add3A_69 : f32 to vector<16xf32>
    %add3A_71 = arith.addf %mul3A_68, %add3A_70 : vector<16xf32>
    %mul3A_72 = arith.mulf %add3A_71, %mul3A_57 : vector<16xf32>
    %add3A_73 = arith.constant 2.000000e-01 : f32
    %add3A_74 = vector.broadcast %add3A_73 : f32 to vector<16xf32>
    %add3A_75 = arith.addf %mul3A_72, %add3A_74 : vector<16xf32>
    %swap3A_76 = arith.constant 16 : index
    %swap3A_77 = tpu.vector_load %arg8[%swap3A_76] {strides = array<i32>} : memref<80xf32, #tpu.memory_space<vmem>>, vector<16xf32>,
    tpu.vector_store %arg8[%swap3A_76], %add3A_75 {strides = array<i32>} : memref<80xf32, #tpu.memory_space<vmem>>, vector<16xf32>,
    %mul3A_78 = arith.constant 5.511464E-7 : f32
    %mul3A_79 = vector.broadcast %mul3A_78 : f32 to vector<16xf32>
    %mul3A_80 = arith.mulf %mul3A_79, %mul3A_57 : vector<16xf32>
    %add3A_81 = arith.constant -3.9682538E-5 : f32
    %add3A_82 = vector.broadcast %add3A_81 : f32 to vector<16xf32>
    %add3A_83 = arith.addf %mul3A_80, %add3A_82 : vector<16xf32>
    %mul3A_84 = arith.mulf %add3A_83, %mul3A_57 : vector<16xf32>
    %add3A_85 = arith.constant 0.00166666671 : f32
    %add3A_86 = vector.broadcast %add3A_85 : f32 to vector<16xf32>
    %add3A_87 = arith.addf %mul3A_84, %add3A_86 : vector<16xf32>
    %mul3A_88 = arith.mulf %add3A_87, %mul3A_57 : vector<16xf32>
    %add3A_89 = arith.constant -0.0333333351 : f32
    %add3A_90 = vector.broadcast %add3A_89 : f32 to vector<16xf32>
    %add3A_91 = arith.addf %mul3A_88, %add3A_90 : vector<16xf32>
    %mul3A_92 = arith.mulf %add3A_91, %mul3A_57 : vector<16xf32>
    %add3A_93 = arith.constant 2.000000e-01 : f32
    %add3A_94 = vector.broadcast %add3A_93 : f32 to vector<16xf32>
    %add3A_95 = arith.addf %mul3A_92, %add3A_94 : vector<16xf32>
    %mul3A_96 = arith.mulf %get3A_56, %add3A_95 : vector<16xf32>
    %add3A_97 = arith.constant 1.000000e+00 : f32
    %add3A_98 = vector.broadcast %add3A_97 : f32 to vector<16xf32>
    %add3A_99 = arith.addf %mul3A_96, %add3A_98 : vector<16xf32>
    %swap3A_100 = arith.constant 16 : index
    %swap3A_101 = tpu.vector_load %arg9[%swap3A_100] {strides = array<i32>} : memref<80xf32, #tpu.memory_space<vmem>>, vector<16xf32>,
    tpu.vector_store %arg9[%swap3A_100], %add3A_99 {strides = array<i32>} : memref<80xf32, #tpu.memory_space<vmem>>, vector<16xf32>,
    %get3A_102 = arith.constant 2 : i32
    %get3A_103 = arith.index_cast %get3A_102 : i32 to index
    %get3A_104 = arith.constant 0 : index
    %get3A_105 = tpu.vector_load %arg7[%get3A_103, %get3A_104] {strides = array<i32>} : memref<5x16xf32, #tpu.memory_space<vmem>>, vector<16xf32>,
    %mul3A_106 = arith.mulf %get3A_105, %get3A_105 : vector<16xf32>
    %mul3A_107 = arith.constant 4.96031726E-6 : f32
    %mul3A_108 = vector.broadcast %mul3A_107 : f32 to vector<16xf32>
    %mul3A_109 = arith.mulf %mul3A_108, %mul3A_106 : vector<16xf32>
    %add3A_110 = arith.constant -2.77777785E-4 : f32
    %add3A_111 = vector.broadcast %add3A_110 : f32 to vector<16xf32>
    %add3A_112 = arith.addf %mul3A_109, %add3A_111 : vector<16xf32>
    %mul3A_113 = arith.mulf %add3A_112, %mul3A_106 : vector<16xf32>
    %add3A_114 = arith.constant 0.00833333377 : f32
    %add3A_115 = vector.broadcast %add3A_114 : f32 to vector<16xf32>
    %add3A_116 = arith.addf %mul3A_113, %add3A_115 : vector<16xf32>
    %mul3A_117 = arith.mulf %add3A_116, %mul3A_106 : vector<16xf32>
    %add3A_118 = arith.constant -1.000000e-01 : f32
    %add3A_119 = vector.broadcast %add3A_118 : f32 to vector<16xf32>
    %add3A_120 = arith.addf %mul3A_117, %add3A_119 : vector<16xf32>
    %mul3A_121 = arith.mulf %add3A_120, %mul3A_106 : vector<16xf32>
    %add3A_122 = arith.constant 2.000000e-01 : f32
    %add3A_123 = vector.broadcast %add3A_122 : f32 to vector<16xf32>
    %add3A_124 = arith.addf %mul3A_121, %add3A_123 : vector<16xf32>
    %swap3A_125 = arith.constant 32 : index
    %swap3A_126 = tpu.vector_load %arg8[%swap3A_125] {strides = array<i32>} : memref<80xf32, #tpu.memory_space<vmem>>, vector<16xf32>,
    tpu.vector_store %arg8[%swap3A_125], %add3A_124 {strides = array<i32>} : memref<80xf32, #tpu.memory_space<vmem>>, vector<16xf32>,
    %mul3A_127 = arith.constant 5.511464E-7 : f32
    %mul3A_128 = vector.broadcast %mul3A_127 : f32 to vector<16xf32>
    %mul3A_129 = arith.mulf %mul3A_128, %mul3A_106 : vector<16xf32>
    %add3A_130 = arith.constant -3.9682538E-5 : f32
    %add3A_131 = vector.broadcast %add3A_130 : f32 to vector<16xf32>
    %add3A_132 = arith.addf %mul3A_129, %add3A_131 : vector<16xf32>
    %mul3A_133 = arith.mulf %add3A_132, %mul3A_106 : vector<16xf32>
    %add3A_134 = arith.constant 0.00166666671 : f32
    %add3A_135 = vector.broadcast %add3A_134 : f32 to vector<16xf32>
    %add3A_136 = arith.addf %mul3A_133, %add3A_135 : vector<16xf32>
    %mul3A_137 = arith.mulf %add3A_136, %mul3A_106 : vector<16xf32>
    %add3A_138 = arith.constant -0.0333333351 : f32
    %add3A_139 = vector.broadcast %add3A_138 : f32 to vector<16xf32>
    %add3A_140 = arith.addf %mul3A_137, %add3A_139 : vector<16xf32>
    %mul3A_141 = arith.mulf %add3A_140, %mul3A_106 : vector<16xf32>
    %add3A_142 = arith.constant 2.000000e-01 : f32
    %add3A_143 = vector.broadcast %add3A_142 : f32 to vector<16xf32>
    %add3A_144 = arith.addf %mul3A_141, %add3A_143 : vector<16xf32>
    %mul3A_145 = arith.mulf %get3A_105, %add3A_144 : vector<16xf32>
    %add3A_146 = arith.constant 1.000000e+00 : f32
    %add3A_147 = vector.broadcast %add3A_146 : f32 to vector<16xf32>
    %add3A_148 = arith.addf %mul3A_145, %add3A_147 : vector<16xf32>
    %swap3A_149 = arith.constant 32 : index
    %swap3A_150 = tpu.vector_load %arg9[%swap3A_149] {strides = array<i32>} : memref<80xf32, #tpu.memory_space<vmem>>, vector<16xf32>,
    tpu.vector_store %arg9[%swap3A_149], %add3A_148 {strides = array<i32>} : memref<80xf32, #tpu.memory_space<vmem>>, vector<16xf32>,
    %get3A_151 = arith.constant 3 : i32
    %get3A_152 = arith.index_cast %get3A_151 : i32 to index
    %get3A_153 = arith.constant 0 : index
    %get3A_154 = tpu.vector_load %arg7[%get3A_152, %get3A_153] {strides = array<i32>} : memref<5x16xf32, #tpu.memory_space<vmem>>, vector<16xf32>,
    %mul3A_155 = arith.mulf %get3A_154, %get3A_154 : vector<16xf32>
    %mul3A_156 = arith.constant 4.96031726E-6 : f32
    %mul3A_157 = vector.broadcast %mul3A_156 : f32 to vector<16xf32>
    %mul3A_158 = arith.mulf %mul3A_157, %mul3A_155 : vector<16xf32>
    %add3A_159 = arith.constant -2.77777785E-4 : f32
    %add3A_160 = vector.broadcast %add3A_159 : f32 to vector<16xf32>
    %add3A_161 = arith.addf %mul3A_158, %add3A_160 : vector<16xf32>
    %mul3A_162 = arith.mulf %add3A_161, %mul3A_155 : vector<16xf32>
    %add3A_163 = arith.constant 0.00833333377 : f32
    %add3A_164 = vector.broadcast %add3A_163 : f32 to vector<16xf32>
    %add3A_165 = arith.addf %mul3A_162, %add3A_164 : vector<16xf32>
    %mul3A_166 = arith.mulf %add3A_165, %mul3A_155 : vector<16xf32>
    %add3A_167 = arith.constant -1.000000e-01 : f32
    %add3A_168 = vector.broadcast %add3A_167 : f32 to vector<16xf32>
    %add3A_169 = arith.addf %mul3A_166, %add3A_168 : vector<16xf32>
    %mul3A_170 = arith.mulf %add3A_169, %mul3A_155 : vector<16xf32>
    %add3A_171 = arith.constant 2.000000e-01 : f32
    %add3A_172 = vector.broadcast %add3A_171 : f32 to vector<16xf32>
    %add3A_173 = arith.addf %mul3A_170, %add3A_172 : vector<16xf32>
    %swap3A_174 = arith.constant 48 : index
    %swap3A_175 = tpu.vector_load %arg8[%swap3A_174] {strides = array<i32>} : memref<80xf32, #tpu.memory_space<vmem>>, vector<16xf32>,
    tpu.vector_store %arg8[%swap3A_174], %add3A_173 {strides = array<i32>} : memref<80xf32, #tpu.memory_space<vmem>>, vector<16xf32>,
    %mul3A_176 = arith.constant 5.511464E-7 : f32
    %mul3A_177 = vector.broadcast %mul3A_176 : f32 to vector<16xf32>
    %mul3A_178 = arith.mulf %mul3A_177, %mul3A_155 : vector<16xf32>
    %add3A_179 = arith.constant -3.9682538E-5 : f32
    %add3A_180 = vector.broadcast %add3A_179 : f32 to vector<16xf32>
    %add3A_181 = arith.addf %mul3A_178, %add3A_180 : vector<16xf32>
    %mul3A_182 = arith.mulf %add3A_181, %mul3A_155 : vector<16xf32>
    %add3A_183 = arith.constant 0.00166666671 : f32
    %add3A_184 = vector.broadcast %add3A_183 : f32 to vector<16xf32>
    %add3A_185 = arith.addf %mul3A_182, %add3A_184 : vector<16xf32>
    %mul3A_186 = arith.mulf %add3A_185, %mul3A_155 : vector<16xf32>
    %add3A_187 = arith.constant -0.0333333351 : f32
    %add3A_188 = vector.broadcast %add3A_187 : f32 to vector<16xf32>
    %add3A_189 = arith.addf %mul3A_186, %add3A_188 : vector<16xf32>
    %mul3A_190 = arith.mulf %add3A_189, %mul3A_155 : vector<16xf32>
    %add3A_191 = arith.constant 2.000000e-01 : f32
    %add3A_192 = vector.broadcast %add3A_191 : f32 to vector<16xf32>
    %add3A_193 = arith.addf %mul3A_190, %add3A_192 : vector<16xf32>
    %mul3A_194 = arith.mulf %get3A_154, %add3A_193 : vector<16xf32>
    %add3A_195 = arith.constant 1.000000e+00 : f32
    %add3A_196 = vector.broadcast %add3A_195 : f32 to vector<16xf32>
    %add3A_197 = arith.addf %mul3A_194, %add3A_196 : vector<16xf32>
    %swap3A_198 = arith.constant 48 : index
    %swap3A_199 = tpu.vector_load %arg9[%swap3A_198] {strides = array<i32>} : memref<80xf32, #tpu.memory_space<vmem>>, vector<16xf32>,
    tpu.vector_store %arg9[%swap3A_198], %add3A_197 {strides = array<i32>} : memref<80xf32, #tpu.memory_space<vmem>>, vector<16xf32>,
    %get3A_200 = arith.constant 4 : i32
    %get3A_201 = arith.index_cast %get3A_200 : i32 to index
    %get3A_202 = arith.constant 0 : index
    %get3A_203 = tpu.vector_load %arg7[%get3A_201, %get3A_202] {strides = array<i32>} : memref<5x16xf32, #tpu.memory_space<vmem>>, vector<16xf32>,
    %mul3A_204 = arith.mulf %get3A_203, %get3A_203 : vector<16xf32>
    %mul3A_205 = arith.constant 4.96031726E-6 : f32
    %mul3A_206 = vector.broadcast %mul3A_205 : f32 to vector<16xf32>
    %mul3A_207 = arith.mulf %mul3A_206, %mul3A_204 : vector<16xf32>
    %add3A_208 = arith.constant -2.77777785E-4 : f32
    %add3A_209 = vector.broadcast %add3A_208 : f32 to vector<16xf32>
    %add3A_210 = arith.addf %mul3A_207, %add3A_209 : vector<16xf32>
    %mul3A_211 = arith.mulf %add3A_210, %mul3A_204 : vector<16xf32>
    %add3A_212 = arith.constant 0.00833333377 : f32
    %add3A_213 = vector.broadcast %add3A_212 : f32 to vector<16xf32>
    %add3A_214 = arith.addf %mul3A_211, %add3A_213 : vector<16xf32>
    %mul3A_215 = arith.mulf %add3A_214, %mul3A_204 : vector<16xf32>
    %add3A_216 = arith.constant -1.000000e-01 : f32
    %add3A_217 = vector.broadcast %add3A_216 : f32 to vector<16xf32>
    %add3A_218 = arith.addf %mul3A_215, %add3A_217 : vector<16xf32>
    %mul3A_219 = arith.mulf %add3A_218, %mul3A_204 : vector<16xf32>
    %add3A_220 = arith.constant 2.000000e-01 : f32
    %add3A_221 = vector.broadcast %add3A_220 : f32 to vector<16xf32>
    %add3A_222 = arith.addf %mul3A_219, %add3A_221 : vector<16xf32>
    %swap3A_223 = arith.constant 64 : index
    %swap3A_224 = tpu.vector_load %arg8[%swap3A_223] {strides = array<i32>} : memref<80xf32, #tpu.memory_space<vmem>>, vector<16xf32>,
    tpu.vector_store %arg8[%swap3A_223], %add3A_222 {strides = array<i32>} : memref<80xf32, #tpu.memory_space<vmem>>, vector<16xf32>,
    %mul3A_225 = arith.constant 5.511464E-7 : f32
    %mul3A_226 = vector.broadcast %mul3A_225 : f32 to vector<16xf32>
    %mul3A_227 = arith.mulf %mul3A_226, %mul3A_204 : vector<16xf32>
    %add3A_228 = arith.constant -3.9682538E-5 : f32
    %add3A_229 = vector.broadcast %add3A_228 : f32 to vector<16xf32>
    %add3A_230 = arith.addf %mul3A_227, %add3A_229 : vector<16xf32>
    %mul3A_231 = arith.mulf %add3A_230, %mul3A_204 : vector<16xf32>
    %add3A_232 = arith.constant 0.00166666671 : f32
    %add3A_233 = vector.broadcast %add3A_232 : f32 to vector<16xf32>
    %add3A_234 = arith.addf %mul3A_231, %add3A_233 : vector<16xf32>
    %mul3A_235 = arith.mulf %add3A_234, %mul3A_204 : vector<16xf32>
    %add3A_236 = arith.constant -0.0333333351 : f32
    %add3A_237 = vector.broadcast %add3A_236 : f32 to vector<16xf32>
    %add3A_238 = arith.addf %mul3A_235, %add3A_237 : vector<16xf32>
    %mul3A_239 = arith.mulf %add3A_238, %mul3A_204 : vector<16xf32>
    %add3A_240 = arith.constant 2.000000e-01 : f32
    %add3A_241 = vector.broadcast %add3A_240 : f32 to vector<16xf32>
    %add3A_242 = arith.addf %mul3A_239, %add3A_241 : vector<16xf32>
    %mul3A_243 = arith.mulf %get3A_203, %add3A_242 : vector<16xf32>
    %add3A_244 = arith.constant 1.000000e+00 : f32
    %add3A_245 = vector.broadcast %add3A_244 : f32 to vector<16xf32>
    %add3A_246 = arith.addf %mul3A_243, %add3A_245 : vector<16xf32>
    %swap3A_247 = arith.constant 64 : index
    %swap3A_248 = tpu.vector_load %arg9[%swap3A_247] {strides = array<i32>} : memref<80xf32, #tpu.memory_space<vmem>>, vector<16xf32>,
    tpu.vector_store %arg9[%swap3A_247], %add3A_246 {strides = array<i32>} : memref<80xf32, #tpu.memory_space<vmem>>, vector<16xf32>,
    %dma_wait3A = arith.constant 0 : i32
    %dma_wait3A_249 = tpu.memref_slice %arg2[%mul3A_2, %dma_wait3A] : memref<1024x128xf32, #tpu.memory_space<hbm>> -> memref<8x128xf32, #tpu.memory_space<hbm>>
    %dma_wait3A_250 = arith.constant 0 : i32
    %dma_wait3A_251 = tpu.memref_slice %arg2[%mul3A_2, %dma_wait3A_250] : memref<1024x128xf32, #tpu.memory_space<hbm>> -> memref<8x128xf32, #tpu.memory_space<hbm>>
    tpu.wait_dma2 semaphore(%arg10 : memref<!tpu.dma_semaphore, #tpu.memory_space<semaphore_mem>>) src(%dma_wait3A_251 : memref<8x128xf32, #tpu.memory_space<hbm>>) dst(%arg5 : memref<8x128xf32, #tpu.memory_space<vmem>>)
    %scan3A = arith.constant 0 : i32
    %scan3A_252 = arith.constant 8 : i32
    %scan3A_253 = arith.addi %scan3A, %scan3A_252 : i32
    %scan3A_254 = arith.constant 1 : i32
    scf.for %scan3A_256 = %scan3A to %scan3A_253 step %scan3A_254  : i32 {
      %mul3A_257 = arith.constant 1 : i32
      %mul3A_258 = arith.muli %scan3A_256, %mul3A_257 : i32
      %add3A_259 = arith.constant 0 : i32
      %add3A_260 = arith.addi %add3A_259, %mul3A_258 : i32
      %get3A_261 = arith.index_cast %add3A_260 : i32 to index
      %get3A_262 = arith.constant 0 : index
      %get3A_263 = tpu.vector_load %arg5[%get3A_261, %get3A_262] {strides = array<i32>} : memref<8x128xf32, #tpu.memory_space<vmem>>, vector<16xf32>,
      %mul3A_264 = arith.constant 8.000000e+00 : f32
      %mul3A_265 = vector.broadcast %mul3A_264 : f32 to vector<16xf32>
      %mul3A_266 = arith.mulf %get3A_263, %mul3A_265 : vector<16xf32>
      %add3A_267 = arith.constant 0x4B400008 : f32
      %add3A_268 = vector.broadcast %add3A_267 : f32 to vector<16xf32>
      %add3A_269 = arith.addf %mul3A_266, %add3A_268 : vector<16xf32>
      %sub3A = arith.constant 0x4B400000 : f32
      %sub3A_270 = vector.broadcast %sub3A : f32 to vector<16xf32>
      %sub3A_271 = arith.subf %add3A_269, %sub3A_270 : vector<16xf32>
      %max3A = arith.constant 0.000000e+00 : f32
      %max3A_272 = vector.broadcast %max3A : f32 to vector<16xf32>
      %max3A_273 = arith.maximumf %sub3A_271, %max3A_272 : vector<16xf32>
      %min3A = arith.constant 1.500000e+01 : f32
      %min3A_274 = vector.broadcast %min3A : f32 to vector<16xf32>
      %min3A_275 = arith.minimumf %max3A_273, %min3A_274 : vector<16xf32>
      %convert_element_type3A = arith.fptosi %min3A_275 : vector<16xf32> to vector<16xi32>
      %gather3A = tpu.vector_load_idx %arg8[%convert_element_type3A] : memref<80xf32, #tpu.memory_space<vmem>>[vector<16xi32>], vector<16xf32>,
      %gather3A_276 = tpu.vector_load_idx %arg9[%convert_element_type3A] : memref<80xf32, #tpu.memory_space<vmem>>[vector<16xi32>], vector<16xf32>,
      %mul3A_277 = arith.mulf %get3A_263, %gather3A_276 : vector<16xf32>
      %add3A_278 = arith.addf %gather3A, %mul3A_277 : vector<16xf32>
      %mul3A_279 = arith.constant 8.000000e+00 : f32
      %mul3A_280 = vector.broadcast %mul3A_279 : f32 to vector<16xf32>
      %mul3A_281 = arith.mulf %add3A_278, %mul3A_280 : vector<16xf32>
      %add3A_282 = arith.constant 0x4B400018 : f32
      %add3A_283 = vector.broadcast %add3A_282 : f32 to vector<16xf32>
      %add3A_284 = arith.addf %mul3A_281, %add3A_283 : vector<16xf32>
      %sub3A_285 = arith.constant 0x4B400000 : f32
      %sub3A_286 = vector.broadcast %sub3A_285 : f32 to vector<16xf32>
      %sub3A_287 = arith.subf %add3A_284, %sub3A_286 : vector<16xf32>
      %max3A_288 = arith.constant 1.600000e+01 : f32
      %max3A_289 = vector.broadcast %max3A_288 : f32 to vector<16xf32>
      %max3A_290 = arith.maximumf %sub3A_287, %max3A_289 : vector<16xf32>
      %min3A_291 = arith.constant 3.100000e+01 : f32
      %min3A_292 = vector.broadcast %min3A_291 : f32 to vector<16xf32>
      %min3A_293 = arith.minimumf %max3A_290, %min3A_292 : vector<16xf32>
      %convert_element_type3A_294 = arith.fptosi %min3A_293 : vector<16xf32> to vector<16xi32>
      %gather3A_295 = tpu.vector_load_idx %arg8[%convert_element_type3A_294] : memref<80xf32, #tpu.memory_space<vmem>>[vector<16xi32>], vector<16xf32>,
      %gather3A_296 = tpu.vector_load_idx %arg9[%convert_element_type3A_294] : memref<80xf32, #tpu.memory_space<vmem>>[vector<16xi32>], vector<16xf32>,
      %mul3A_297 = arith.mulf %add3A_278, %gather3A_296 : vector<16xf32>
      %add3A_298 = arith.addf %gather3A_295, %mul3A_297 : vector<16xf32>
      %mul3A_299 = arith.constant 8.000000e+00 : f32
      %mul3A_300 = vector.broadcast %mul3A_299 : f32 to vector<16xf32>
      %mul3A_301 = arith.mulf %add3A_298, %mul3A_300 : vector<16xf32>
      %add3A_302 = arith.constant 0x4B400028 : f32
      %add3A_303 = vector.broadcast %add3A_302 : f32 to vector<16xf32>
      %add3A_304 = arith.addf %mul3A_301, %add3A_303 : vector<16xf32>
      %sub3A_305 = arith.constant 0x4B400000 : f32
      %sub3A_306 = vector.broadcast %sub3A_305 : f32 to vector<16xf32>
      %sub3A_307 = arith.subf %add3A_304, %sub3A_306 : vector<16xf32>
      %max3A_308 = arith.constant 3.200000e+01 : f32
      %max3A_309 = vector.broadcast %max3A_308 : f32 to vector<16xf32>
      %max3A_310 = arith.maximumf %sub3A_307, %max3A_309 : vector<16xf32>
      %min3A_311 = arith.constant 4.700000e+01 : f32
      %min3A_312 = vector.broadcast %min3A_311 : f32 to vector<16xf32>
      %min3A_313 = arith.minimumf %max3A_310, %min3A_312 : vector<16xf32>
      %convert_element_type3A_314 = arith.fptosi %min3A_313 : vector<16xf32> to vector<16xi32>
      %gather3A_315 = tpu.vector_load_idx %arg8[%convert_element_type3A_314] : memref<80xf32, #tpu.memory_space<vmem>>[vector<16xi32>], vector<16xf32>,
      %gather3A_316 = tpu.vector_load_idx %arg9[%convert_element_type3A_314] : memref<80xf32, #tpu.memory_space<vmem>>[vector<16xi32>], vector<16xf32>,
      %mul3A_317 = arith.mulf %add3A_298, %gather3A_316 : vector<16xf32>
      %add3A_318 = arith.addf %gather3A_315, %mul3A_317 : vector<16xf32>
      %mul3A_319 = arith.constant 8.000000e+00 : f32
      %mul3A_320 = vector.broadcast %mul3A_319 : f32 to vector<16xf32>
      %mul3A_321 = arith.mulf %add3A_318, %mul3A_320 : vector<16xf32>
      %add3A_322 = arith.constant 0x4B400038 : f32
      %add3A_323 = vector.broadcast %add3A_322 : f32 to vector<16xf32>
      %add3A_324 = arith.addf %mul3A_321, %add3A_323 : vector<16xf32>
      %sub3A_325 = arith.constant 0x4B400000 : f32
      %sub3A_326 = vector.broadcast %sub3A_325 : f32 to vector<16xf32>
      %sub3A_327 = arith.subf %add3A_324, %sub3A_326 : vector<16xf32>
      %max3A_328 = arith.constant 4.800000e+01 : f32
      %max3A_329 = vector.broadcast %max3A_328 : f32 to vector<16xf32>
      %max3A_330 = arith.maximumf %sub3A_327, %max3A_329 : vector<16xf32>
      %min3A_331 = arith.constant 6.300000e+01 : f32
      %min3A_332 = vector.broadcast %min3A_331 : f32 to vector<16xf32>
      %min3A_333 = arith.minimumf %max3A_330, %min3A_332 : vector<16xf32>
      %convert_element_type3A_334 = arith.fptosi %min3A_333 : vector<16xf32> to vector<16xi32>
      %gather3A_335 = tpu.vector_load_idx %arg8[%convert_element_type3A_334] : memref<80xf32, #tpu.memory_space<vmem>>[vector<16xi32>], vector<16xf32>,
      %gather3A_336 = tpu.vector_load_idx %arg9[%convert_element_type3A_334] : memref<80xf32, #tpu.memory_space<vmem>>[vector<16xi32>], vector<16xf32>,
      %mul3A_337 = arith.mulf %add3A_318, %gather3A_336 : vector<16xf32>
      %add3A_338 = arith.addf %gather3A_335, %mul3A_337 : vector<16xf32>
      %mul3A_339 = arith.constant 8.000000e+00 : f32
      %mul3A_340 = vector.broadcast %mul3A_339 : f32 to vector<16xf32>
      %mul3A_341 = arith.mulf %add3A_338, %mul3A_340 : vector<16xf32>
      %add3A_342 = arith.constant 0x4B400048 : f32
      %add3A_343 = vector.broadcast %add3A_342 : f32 to vector<16xf32>
      %add3A_344 = arith.addf %mul3A_341, %add3A_343 : vector<16xf32>
      %sub3A_345 = arith.constant 0x4B400000 : f32
      %sub3A_346 = vector.broadcast %sub3A_345 : f32 to vector<16xf32>
      %sub3A_347 = arith.subf %add3A_344, %sub3A_346 : vector<16xf32>
      %max3A_348 = arith.constant 6.400000e+01 : f32
      %max3A_349 = vector.broadcast %max3A_348 : f32 to vector<16xf32>
      %max3A_350 = arith.maximumf %sub3A_347, %max3A_349 : vector<16xf32>
      %min3A_351 = arith.constant 7.900000e+01 : f32
      %min3A_352 = vector.broadcast %min3A_351 : f32 to vector<16xf32>
      %min3A_353 = arith.minimumf %max3A_350, %min3A_352 : vector<16xf32>
      %convert_element_type3A_354 = arith.fptosi %min3A_353 : vector<16xf32> to vector<16xi32>
      %gather3A_355 = tpu.vector_load_idx %arg8[%convert_element_type3A_354] : memref<80xf32, #tpu.memory_space<vmem>>[vector<16xi32>], vector<16xf32>,
      %gather3A_356 = tpu.vector_load_idx %arg9[%convert_element_type3A_354] : memref<80xf32, #tpu.memory_space<vmem>>[vector<16xi32>], vector<16xf32>,
      %mul3A_357 = arith.mulf %add3A_338, %gather3A_356 : vector<16xf32>
      %add3A_358 = arith.addf %gather3A_355, %mul3A_357 : vector<16xf32>
      %get3A_359 = arith.index_cast %add3A_260 : i32 to index
      %get3A_360 = arith.constant 16 : index
      %get3A_361 = tpu.vector_load %arg5[%get3A_359, %get3A_360] {strides = array<i32>} : memref<8x128xf32, #tpu.memory_space<vmem>>, vector<16xf32>,
      %mul3A_362 = arith.constant 8.000000e+00 : f32
      %mul3A_363 = vector.broadcast %mul3A_362 : f32 to vector<16xf32>
      %mul3A_364 = arith.mulf %get3A_361, %mul3A_363 : vector<16xf32>
      %add3A_365 = arith.constant 0x4B400008 : f32
      %add3A_366 = vector.broadcast %add3A_365 : f32 to vector<16xf32>
      %add3A_367 = arith.addf %mul3A_364, %add3A_366 : vector<16xf32>
      %sub3A_368 = arith.constant 0x4B400000 : f32
      %sub3A_369 = vector.broadcast %sub3A_368 : f32 to vector<16xf32>
      %sub3A_370 = arith.subf %add3A_367, %sub3A_369 : vector<16xf32>
      %max3A_371 = arith.constant 0.000000e+00 : f32
      %max3A_372 = vector.broadcast %max3A_371 : f32 to vector<16xf32>
      %max3A_373 = arith.maximumf %sub3A_370, %max3A_372 : vector<16xf32>
      %min3A_374 = arith.constant 1.500000e+01 : f32
      %min3A_375 = vector.broadcast %min3A_374 : f32 to vector<16xf32>
      %min3A_376 = arith.minimumf %max3A_373, %min3A_375 : vector<16xf32>
      %convert_element_type3A_377 = arith.fptosi %min3A_376 : vector<16xf32> to vector<16xi32>
      %gather3A_378 = tpu.vector_load_idx %arg8[%convert_element_type3A_377] : memref<80xf32, #tpu.memory_space<vmem>>[vector<16xi32>], vector<16xf32>,
      %gather3A_379 = tpu.vector_load_idx %arg9[%convert_element_type3A_377] : memref<80xf32, #tpu.memory_space<vmem>>[vector<16xi32>], vector<16xf32>,
      %mul3A_380 = arith.mulf %get3A_361, %gather3A_379 : vector<16xf32>
      %add3A_381 = arith.addf %gather3A_378, %mul3A_380 : vector<16xf32>
      %mul3A_382 = arith.constant 8.000000e+00 : f32
      %mul3A_383 = vector.broadcast %mul3A_382 : f32 to vector<16xf32>
      %mul3A_384 = arith.mulf %add3A_381, %mul3A_383 : vector<16xf32>
      %add3A_385 = arith.constant 0x4B400018 : f32
      %add3A_386 = vector.broadcast %add3A_385 : f32 to vector<16xf32>
      %add3A_387 = arith.addf %mul3A_384, %add3A_386 : vector<16xf32>
      %sub3A_388 = arith.constant 0x4B400000 : f32
      %sub3A_389 = vector.broadcast %sub3A_388 : f32 to vector<16xf32>
      %sub3A_390 = arith.subf %add3A_387, %sub3A_389 : vector<16xf32>
      %max3A_391 = arith.constant 1.600000e+01 : f32
      %max3A_392 = vector.broadcast %max3A_391 : f32 to vector<16xf32>
      %max3A_393 = arith.maximumf %sub3A_390, %max3A_392 : vector<16xf32>
      %min3A_394 = arith.constant 3.100000e+01 : f32
      %min3A_395 = vector.broadcast %min3A_394 : f32 to vector<16xf32>
      %min3A_396 = arith.minimumf %max3A_393, %min3A_395 : vector<16xf32>
      %convert_element_type3A_397 = arith.fptosi %min3A_396 : vector<16xf32> to vector<16xi32>
      %gather3A_398 = tpu.vector_load_idx %arg8[%convert_element_type3A_397] : memref<80xf32, #tpu.memory_space<vmem>>[vector<16xi32>], vector<16xf32>,
      %gather3A_399 = tpu.vector_load_idx %arg9[%convert_element_type3A_397] : memref<80xf32, #tpu.memory_space<vmem>>[vector<16xi32>], vector<16xf32>,
      %mul3A_400 = arith.mulf %add3A_381, %gather3A_399 : vector<16xf32>
      %add3A_401 = arith.addf %gather3A_398, %mul3A_400 : vector<16xf32>
      %mul3A_402 = arith.constant 8.000000e+00 : f32
      %mul3A_403 = vector.broadcast %mul3A_402 : f32 to vector<16xf32>
      %mul3A_404 = arith.mulf %add3A_401, %mul3A_403 : vector<16xf32>
      %add3A_405 = arith.constant 0x4B400028 : f32
      %add3A_406 = vector.broadcast %add3A_405 : f32 to vector<16xf32>
      %add3A_407 = arith.addf %mul3A_404, %add3A_406 : vector<16xf32>
      %sub3A_408 = arith.constant 0x4B400000 : f32
      %sub3A_409 = vector.broadcast %sub3A_408 : f32 to vector<16xf32>
      %sub3A_410 = arith.subf %add3A_407, %sub3A_409 : vector<16xf32>
      %max3A_411 = arith.constant 3.200000e+01 : f32
      %max3A_412 = vector.broadcast %max3A_411 : f32 to vector<16xf32>
      %max3A_413 = arith.maximumf %sub3A_410, %max3A_412 : vector<16xf32>
      %min3A_414 = arith.constant 4.700000e+01 : f32
      %min3A_415 = vector.broadcast %min3A_414 : f32 to vector<16xf32>
      %min3A_416 = arith.minimumf %max3A_413, %min3A_415 : vector<16xf32>
      %convert_element_type3A_417 = arith.fptosi %min3A_416 : vector<16xf32> to vector<16xi32>
      %gather3A_418 = tpu.vector_load_idx %arg8[%convert_element_type3A_417] : memref<80xf32, #tpu.memory_space<vmem>>[vector<16xi32>], vector<16xf32>,
      %gather3A_419 = tpu.vector_load_idx %arg9[%convert_element_type3A_417] : memref<80xf32, #tpu.memory_space<vmem>>[vector<16xi32>], vector<16xf32>,
      %mul3A_420 = arith.mulf %add3A_401, %gather3A_419 : vector<16xf32>
      %add3A_421 = arith.addf %gather3A_418, %mul3A_420 : vector<16xf32>
      %mul3A_422 = arith.constant 8.000000e+00 : f32
      %mul3A_423 = vector.broadcast %mul3A_422 : f32 to vector<16xf32>
      %mul3A_424 = arith.mulf %add3A_421, %mul3A_423 : vector<16xf32>
      %add3A_425 = arith.constant 0x4B400038 : f32
      %add3A_426 = vector.broadcast %add3A_425 : f32 to vector<16xf32>
      %add3A_427 = arith.addf %mul3A_424, %add3A_426 : vector<16xf32>
      %sub3A_428 = arith.constant 0x4B400000 : f32
      %sub3A_429 = vector.broadcast %sub3A_428 : f32 to vector<16xf32>
      %sub3A_430 = arith.subf %add3A_427, %sub3A_429 : vector<16xf32>
      %max3A_431 = arith.constant 4.800000e+01 : f32
      %max3A_432 = vector.broadcast %max3A_431 : f32 to vector<16xf32>
      %max3A_433 = arith.maximumf %sub3A_430, %max3A_432 : vector<16xf32>
      %min3A_434 = arith.constant 6.300000e+01 : f32
      %min3A_435 = vector.broadcast %min3A_434 : f32 to vector<16xf32>
      %min3A_436 = arith.minimumf %max3A_433, %min3A_435 : vector<16xf32>
      %convert_element_type3A_437 = arith.fptosi %min3A_436 : vector<16xf32> to vector<16xi32>
      %gather3A_438 = tpu.vector_load_idx %arg8[%convert_element_type3A_437] : memref<80xf32, #tpu.memory_space<vmem>>[vector<16xi32>], vector<16xf32>,
      %gather3A_439 = tpu.vector_load_idx %arg9[%convert_element_type3A_437] : memref<80xf32, #tpu.memory_space<vmem>>[vector<16xi32>], vector<16xf32>,
      %mul3A_440 = arith.mulf %add3A_421, %gather3A_439 : vector<16xf32>
      %add3A_441 = arith.addf %gather3A_438, %mul3A_440 : vector<16xf32>
      %mul3A_442 = arith.constant 8.000000e+00 : f32
      %mul3A_443 = vector.broadcast %mul3A_442 : f32 to vector<16xf32>
      %mul3A_444 = arith.mulf %add3A_441, %mul3A_443 : vector<16xf32>
      %add3A_445 = arith.constant 0x4B400048 : f32
      %add3A_446 = vector.broadcast %add3A_445 : f32 to vector<16xf32>
      %add3A_447 = arith.addf %mul3A_444, %add3A_446 : vector<16xf32>
      %sub3A_448 = arith.constant 0x4B400000 : f32
      %sub3A_449 = vector.broadcast %sub3A_448 : f32 to vector<16xf32>
      %sub3A_450 = arith.subf %add3A_447, %sub3A_449 : vector<16xf32>
      %max3A_451 = arith.constant 6.400000e+01 : f32
      %max3A_452 = vector.broadcast %max3A_451 : f32 to vector<16xf32>
      %max3A_453 = arith.maximumf %sub3A_450, %max3A_452 : vector<16xf32>
      %min3A_454 = arith.constant 7.900000e+01 : f32
      %min3A_455 = vector.broadcast %min3A_454 : f32 to vector<16xf32>
      %min3A_456 = arith.minimumf %max3A_453, %min3A_455 : vector<16xf32>
      %convert_element_type3A_457 = arith.fptosi %min3A_456 : vector<16xf32> to vector<16xi32>
      %gather3A_458 = tpu.vector_load_idx %arg8[%convert_element_type3A_457] : memref<80xf32, #tpu.memory_space<vmem>>[vector<16xi32>], vector<16xf32>,
      %gather3A_459 = tpu.vector_load_idx %arg9[%convert_element_type3A_457] : memref<80xf32, #tpu.memory_space<vmem>>[vector<16xi32>], vector<16xf32>,
      %mul3A_460 = arith.mulf %add3A_441, %gather3A_459 : vector<16xf32>
      %add3A_461 = arith.addf %gather3A_458, %mul3A_460 : vector<16xf32>
      %get3A_462 = arith.index_cast %add3A_260 : i32 to index
      %get3A_463 = arith.constant 32 : index
      %get3A_464 = tpu.vector_load %arg5[%get3A_462, %get3A_463] {strides = array<i32>} : memref<8x128xf32, #tpu.memory_space<vmem>>, vector<16xf32>,
      %mul3A_465 = arith.constant 8.000000e+00 : f32
      %mul3A_466 = vector.broadcast %mul3A_465 : f32 to vector<16xf32>
      %mul3A_467 = arith.mulf %get3A_464, %mul3A_466 : vector<16xf32>
      %add3A_468 = arith.constant 0x4B400008 : f32
      %add3A_469 = vector.broadcast %add3A_468 : f32 to vector<16xf32>
      %add3A_470 = arith.addf %mul3A_467, %add3A_469 : vector<16xf32>
      %sub3A_471 = arith.constant 0x4B400000 : f32
      %sub3A_472 = vector.broadcast %sub3A_471 : f32 to vector<16xf32>
      %sub3A_473 = arith.subf %add3A_470, %sub3A_472 : vector<16xf32>
      %max3A_474 = arith.constant 0.000000e+00 : f32
      %max3A_475 = vector.broadcast %max3A_474 : f32 to vector<16xf32>
      %max3A_476 = arith.maximumf %sub3A_473, %max3A_475 : vector<16xf32>
      %min3A_477 = arith.constant 1.500000e+01 : f32
      %min3A_478 = vector.broadcast %min3A_477 : f32 to vector<16xf32>
      %min3A_479 = arith.minimumf %max3A_476, %min3A_478 : vector<16xf32>
      %convert_element_type3A_480 = arith.fptosi %min3A_479 : vector<16xf32> to vector<16xi32>
      %gather3A_481 = tpu.vector_load_idx %arg8[%convert_element_type3A_480] : memref<80xf32, #tpu.memory_space<vmem>>[vector<16xi32>], vector<16xf32>,
      %gather3A_482 = tpu.vector_load_idx %arg9[%convert_element_type3A_480] : memref<80xf32, #tpu.memory_space<vmem>>[vector<16xi32>], vector<16xf32>,
      %mul3A_483 = arith.mulf %get3A_464, %gather3A_482 : vector<16xf32>
      %add3A_484 = arith.addf %gather3A_481, %mul3A_483 : vector<16xf32>
      %mul3A_485 = arith.constant 8.000000e+00 : f32
      %mul3A_486 = vector.broadcast %mul3A_485 : f32 to vector<16xf32>
      %mul3A_487 = arith.mulf %add3A_484, %mul3A_486 : vector<16xf32>
      %add3A_488 = arith.constant 0x4B400018 : f32
      %add3A_489 = vector.broadcast %add3A_488 : f32 to vector<16xf32>
      %add3A_490 = arith.addf %mul3A_487, %add3A_489 : vector<16xf32>
      %sub3A_491 = arith.constant 0x4B400000 : f32
      %sub3A_492 = vector.broadcast %sub3A_491 : f32 to vector<16xf32>
      %sub3A_493 = arith.subf %add3A_490, %sub3A_492 : vector<16xf32>
      %max3A_494 = arith.constant 1.600000e+01 : f32
      %max3A_495 = vector.broadcast %max3A_494 : f32 to vector<16xf32>
      %max3A_496 = arith.maximumf %sub3A_493, %max3A_495 : vector<16xf32>
      %min3A_497 = arith.constant 3.100000e+01 : f32
      %min3A_498 = vector.broadcast %min3A_497 : f32 to vector<16xf32>
      %min3A_499 = arith.minimumf %max3A_496, %min3A_498 : vector<16xf32>
      %convert_element_type3A_500 = arith.fptosi %min3A_499 : vector<16xf32> to vector<16xi32>
      %gather3A_501 = tpu.vector_load_idx %arg8[%convert_element_type3A_500] : memref<80xf32, #tpu.memory_space<vmem>>[vector<16xi32>], vector<16xf32>,
      %gather3A_502 = tpu.vector_load_idx %arg9[%convert_element_type3A_500] : memref<80xf32, #tpu.memory_space<vmem>>[vector<16xi32>], vector<16xf32>,
      %mul3A_503 = arith.mulf %add3A_484, %gather3A_502 : vector<16xf32>
      %add3A_504 = arith.addf %gather3A_501, %mul3A_503 : vector<16xf32>
      %mul3A_505 = arith.constant 8.000000e+00 : f32
      %mul3A_506 = vector.broadcast %mul3A_505 : f32 to vector<16xf32>
      %mul3A_507 = arith.mulf %add3A_504, %mul3A_506 : vector<16xf32>
      %add3A_508 = arith.constant 0x4B400028 : f32
      %add3A_509 = vector.broadcast %add3A_508 : f32 to vector<16xf32>
      %add3A_510 = arith.addf %mul3A_507, %add3A_509 : vector<16xf32>
      %sub3A_511 = arith.constant 0x4B400000 : f32
      %sub3A_512 = vector.broadcast %sub3A_511 : f32 to vector<16xf32>
      %sub3A_513 = arith.subf %add3A_510, %sub3A_512 : vector<16xf32>
      %max3A_514 = arith.constant 3.200000e+01 : f32
      %max3A_515 = vector.broadcast %max3A_514 : f32 to vector<16xf32>
      %max3A_516 = arith.maximumf %sub3A_513, %max3A_515 : vector<16xf32>
      %min3A_517 = arith.constant 4.700000e+01 : f32
      %min3A_518 = vector.broadcast %min3A_517 : f32 to vector<16xf32>
      %min3A_519 = arith.minimumf %max3A_516, %min3A_518 : vector<16xf32>
      %convert_element_type3A_520 = arith.fptosi %min3A_519 : vector<16xf32> to vector<16xi32>
      %gather3A_521 = tpu.vector_load_idx %arg8[%convert_element_type3A_520] : memref<80xf32, #tpu.memory_space<vmem>>[vector<16xi32>], vector<16xf32>,
      %gather3A_522 = tpu.vector_load_idx %arg9[%convert_element_type3A_520] : memref<80xf32, #tpu.memory_space<vmem>>[vector<16xi32>], vector<16xf32>,
      %mul3A_523 = arith.mulf %add3A_504, %gather3A_522 : vector<16xf32>
      %add3A_524 = arith.addf %gather3A_521, %mul3A_523 : vector<16xf32>
      %mul3A_525 = arith.constant 8.000000e+00 : f32
      %mul3A_526 = vector.broadcast %mul3A_525 : f32 to vector<16xf32>
      %mul3A_527 = arith.mulf %add3A_524, %mul3A_526 : vector<16xf32>
      %add3A_528 = arith.constant 0x4B400038 : f32
      %add3A_529 = vector.broadcast %add3A_528 : f32 to vector<16xf32>
      %add3A_530 = arith.addf %mul3A_527, %add3A_529 : vector<16xf32>
      %sub3A_531 = arith.constant 0x4B400000 : f32
      %sub3A_532 = vector.broadcast %sub3A_531 : f32 to vector<16xf32>
      %sub3A_533 = arith.subf %add3A_530, %sub3A_532 : vector<16xf32>
      %max3A_534 = arith.constant 4.800000e+01 : f32
      %max3A_535 = vector.broadcast %max3A_534 : f32 to vector<16xf32>
      %max3A_536 = arith.maximumf %sub3A_533, %max3A_535 : vector<16xf32>
      %min3A_537 = arith.constant 6.300000e+01 : f32
      %min3A_538 = vector.broadcast %min3A_537 : f32 to vector<16xf32>
      %min3A_539 = arith.minimumf %max3A_536, %min3A_538 : vector<16xf32>
      %convert_element_type3A_540 = arith.fptosi %min3A_539 : vector<16xf32> to vector<16xi32>
      %gather3A_541 = tpu.vector_load_idx %arg8[%convert_element_type3A_540] : memref<80xf32, #tpu.memory_space<vmem>>[vector<16xi32>], vector<16xf32>,
      %gather3A_542 = tpu.vector_load_idx %arg9[%convert_element_type3A_540] : memref<80xf32, #tpu.memory_space<vmem>>[vector<16xi32>], vector<16xf32>,
      %mul3A_543 = arith.mulf %add3A_524, %gather3A_542 : vector<16xf32>
      %add3A_544 = arith.addf %gather3A_541, %mul3A_543 : vector<16xf32>
      %mul3A_545 = arith.constant 8.000000e+00 : f32
      %mul3A_546 = vector.broadcast %mul3A_545 : f32 to vector<16xf32>
      %mul3A_547 = arith.mulf %add3A_544, %mul3A_546 : vector<16xf32>
      %add3A_548 = arith.constant 0x4B400048 : f32
      %add3A_549 = vector.broadcast %add3A_548 : f32 to vector<16xf32>
      %add3A_550 = arith.addf %mul3A_547, %add3A_549 : vector<16xf32>
      %sub3A_551 = arith.constant 0x4B400000 : f32
      %sub3A_552 = vector.broadcast %sub3A_551 : f32 to vector<16xf32>
      %sub3A_553 = arith.subf %add3A_550, %sub3A_552 : vector<16xf32>
      %max3A_554 = arith.constant 6.400000e+01 : f32
      %max3A_555 = vector.broadcast %max3A_554 : f32 to vector<16xf32>
      %max3A_556 = arith.maximumf %sub3A_553, %max3A_555 : vector<16xf32>
      %min3A_557 = arith.constant 7.900000e+01 : f32
      %min3A_558 = vector.broadcast %min3A_557 : f32 to vector<16xf32>
      %min3A_559 = arith.minimumf %max3A_556, %min3A_558 : vector<16xf32>
      %convert_element_type3A_560 = arith.fptosi %min3A_559 : vector<16xf32> to vector<16xi32>
      %gather3A_561 = tpu.vector_load_idx %arg8[%convert_element_type3A_560] : memref<80xf32, #tpu.memory_space<vmem>>[vector<16xi32>], vector<16xf32>,
      %gather3A_562 = tpu.vector_load_idx %arg9[%convert_element_type3A_560] : memref<80xf32, #tpu.memory_space<vmem>>[vector<16xi32>], vector<16xf32>,
      %mul3A_563 = arith.mulf %add3A_544, %gather3A_562 : vector<16xf32>
      %add3A_564 = arith.addf %gather3A_561, %mul3A_563 : vector<16xf32>
      %get3A_565 = arith.index_cast %add3A_260 : i32 to index
      %get3A_566 = arith.constant 48 : index
      %get3A_567 = tpu.vector_load %arg5[%get3A_565, %get3A_566] {strides = array<i32>} : memref<8x128xf32, #tpu.memory_space<vmem>>, vector<16xf32>,
      %mul3A_568 = arith.constant 8.000000e+00 : f32
      %mul3A_569 = vector.broadcast %mul3A_568 : f32 to vector<16xf32>
      %mul3A_570 = arith.mulf %get3A_567, %mul3A_569 : vector<16xf32>
      %add3A_571 = arith.constant 0x4B400008 : f32
      %add3A_572 = vector.broadcast %add3A_571 : f32 to vector<16xf32>
      %add3A_573 = arith.addf %mul3A_570, %add3A_572 : vector<16xf32>
      %sub3A_574 = arith.constant 0x4B400000 : f32
      %sub3A_575 = vector.broadcast %sub3A_574 : f32 to vector<16xf32>
      %sub3A_576 = arith.subf %add3A_573, %sub3A_575 : vector<16xf32>
      %max3A_577 = arith.constant 0.000000e+00 : f32
      %max3A_578 = vector.broadcast %max3A_577 : f32 to vector<16xf32>
      %max3A_579 = arith.maximumf %sub3A_576, %max3A_578 : vector<16xf32>
      %min3A_580 = arith.constant 1.500000e+01 : f32
      %min3A_581 = vector.broadcast %min3A_580 : f32 to vector<16xf32>
      %min3A_582 = arith.minimumf %max3A_579, %min3A_581 : vector<16xf32>
      %convert_element_type3A_583 = arith.fptosi %min3A_582 : vector<16xf32> to vector<16xi32>
      %gather3A_584 = tpu.vector_load_idx %arg8[%convert_element_type3A_583] : memref<80xf32, #tpu.memory_space<vmem>>[vector<16xi32>], vector<16xf32>,
      %gather3A_585 = tpu.vector_load_idx %arg9[%convert_element_type3A_583] : memref<80xf32, #tpu.memory_space<vmem>>[vector<16xi32>], vector<16xf32>,
      %mul3A_586 = arith.mulf %get3A_567, %gather3A_585 : vector<16xf32>
      %add3A_587 = arith.addf %gather3A_584, %mul3A_586 : vector<16xf32>
      %mul3A_588 = arith.constant 8.000000e+00 : f32
      %mul3A_589 = vector.broadcast %mul3A_588 : f32 to vector<16xf32>
      %mul3A_590 = arith.mulf %add3A_587, %mul3A_589 : vector<16xf32>
      %add3A_591 = arith.constant 0x4B400018 : f32
      %add3A_592 = vector.broadcast %add3A_591 : f32 to vector<16xf32>
      %add3A_593 = arith.addf %mul3A_590, %add3A_592 : vector<16xf32>
      %sub3A_594 = arith.constant 0x4B400000 : f32
      %sub3A_595 = vector.broadcast %sub3A_594 : f32 to vector<16xf32>
      %sub3A_596 = arith.subf %add3A_593, %sub3A_595 : vector<16xf32>
      %max3A_597 = arith.constant 1.600000e+01 : f32
      %max3A_598 = vector.broadcast %max3A_597 : f32 to vector<16xf32>
      %max3A_599 = arith.maximumf %sub3A_596, %max3A_598 : vector<16xf32>
      %min3A_600 = arith.constant 3.100000e+01 : f32
      %min3A_601 = vector.broadcast %min3A_600 : f32 to vector<16xf32>
      %min3A_602 = arith.minimumf %max3A_599, %min3A_601 : vector<16xf32>
      %convert_element_type3A_603 = arith.fptosi %min3A_602 : vector<16xf32> to vector<16xi32>
      %gather3A_604 = tpu.vector_load_idx %arg8[%convert_element_type3A_603] : memref<80xf32, #tpu.memory_space<vmem>>[vector<16xi32>], vector<16xf32>,
      %gather3A_605 = tpu.vector_load_idx %arg9[%convert_element_type3A_603] : memref<80xf32, #tpu.memory_space<vmem>>[vector<16xi32>], vector<16xf32>,
      %mul3A_606 = arith.mulf %add3A_587, %gather3A_605 : vector<16xf32>
      %add3A_607 = arith.addf %gather3A_604, %mul3A_606 : vector<16xf32>
      %mul3A_608 = arith.constant 8.000000e+00 : f32
      %mul3A_609 = vector.broadcast %mul3A_608 : f32 to vector<16xf32>
      %mul3A_610 = arith.mulf %add3A_607, %mul3A_609 : vector<16xf32>
      %add3A_611 = arith.constant 0x4B400028 : f32
      %add3A_612 = vector.broadcast %add3A_611 : f32 to vector<16xf32>
      %add3A_613 = arith.addf %mul3A_610, %add3A_612 : vector<16xf32>
      %sub3A_614 = arith.constant 0x4B400000 : f32
      %sub3A_615 = vector.broadcast %sub3A_614 : f32 to vector<16xf32>
      %sub3A_616 = arith.subf %add3A_613, %sub3A_615 : vector<16xf32>
      %max3A_617 = arith.constant 3.200000e+01 : f32
      %max3A_618 = vector.broadcast %max3A_617 : f32 to vector<16xf32>
      %max3A_619 = arith.maximumf %sub3A_616, %max3A_618 : vector<16xf32>
      %min3A_620 = arith.constant 4.700000e+01 : f32
      %min3A_621 = vector.broadcast %min3A_620 : f32 to vector<16xf32>
      %min3A_622 = arith.minimumf %max3A_619, %min3A_621 : vector<16xf32>
      %convert_element_type3A_623 = arith.fptosi %min3A_622 : vector<16xf32> to vector<16xi32>
      %gather3A_624 = tpu.vector_load_idx %arg8[%convert_element_type3A_623] : memref<80xf32, #tpu.memory_space<vmem>>[vector<16xi32>], vector<16xf32>,
      %gather3A_625 = tpu.vector_load_idx %arg9[%convert_element_type3A_623] : memref<80xf32, #tpu.memory_space<vmem>>[vector<16xi32>], vector<16xf32>,
      %mul3A_626 = arith.mulf %add3A_607, %gather3A_625 : vector<16xf32>
      %add3A_627 = arith.addf %gather3A_624, %mul3A_626 : vector<16xf32>
      %mul3A_628 = arith.constant 8.000000e+00 : f32
      %mul3A_629 = vector.broadcast %mul3A_628 : f32 to vector<16xf32>
      %mul3A_630 = arith.mulf %add3A_627, %mul3A_629 : vector<16xf32>
      %add3A_631 = arith.constant 0x4B400038 : f32
      %add3A_632 = vector.broadcast %add3A_631 : f32 to vector<16xf32>
      %add3A_633 = arith.addf %mul3A_630, %add3A_632 : vector<16xf32>
      %sub3A_634 = arith.constant 0x4B400000 : f32
      %sub3A_635 = vector.broadcast %sub3A_634 : f32 to vector<16xf32>
      %sub3A_636 = arith.subf %add3A_633, %sub3A_635 : vector<16xf32>
      %max3A_637 = arith.constant 4.800000e+01 : f32
      %max3A_638 = vector.broadcast %max3A_637 : f32 to vector<16xf32>
      %max3A_639 = arith.maximumf %sub3A_636, %max3A_638 : vector<16xf32>
      %min3A_640 = arith.constant 6.300000e+01 : f32
      %min3A_641 = vector.broadcast %min3A_640 : f32 to vector<16xf32>
      %min3A_642 = arith.minimumf %max3A_639, %min3A_641 : vector<16xf32>
      %convert_element_type3A_643 = arith.fptosi %min3A_642 : vector<16xf32> to vector<16xi32>
      %gather3A_644 = tpu.vector_load_idx %arg8[%convert_element_type3A_643] : memref<80xf32, #tpu.memory_space<vmem>>[vector<16xi32>], vector<16xf32>,
      %gather3A_645 = tpu.vector_load_idx %arg9[%convert_element_type3A_643] : memref<80xf32, #tpu.memory_space<vmem>>[vector<16xi32>], vector<16xf32>,
      %mul3A_646 = arith.mulf %add3A_627, %gather3A_645 : vector<16xf32>
      %add3A_647 = arith.addf %gather3A_644, %mul3A_646 : vector<16xf32>
      %mul3A_648 = arith.constant 8.000000e+00 : f32
      %mul3A_649 = vector.broadcast %mul3A_648 : f32 to vector<16xf32>
      %mul3A_650 = arith.mulf %add3A_647, %mul3A_649 : vector<16xf32>
      %add3A_651 = arith.constant 0x4B400048 : f32
      %add3A_652 = vector.broadcast %add3A_651 : f32 to vector<16xf32>
      %add3A_653 = arith.addf %mul3A_650, %add3A_652 : vector<16xf32>
      %sub3A_654 = arith.constant 0x4B400000 : f32
      %sub3A_655 = vector.broadcast %sub3A_654 : f32 to vector<16xf32>
      %sub3A_656 = arith.subf %add3A_653, %sub3A_655 : vector<16xf32>
      %max3A_657 = arith.constant 6.400000e+01 : f32
      %max3A_658 = vector.broadcast %max3A_657 : f32 to vector<16xf32>
      %max3A_659 = arith.maximumf %sub3A_656, %max3A_658 : vector<16xf32>
      %min3A_660 = arith.constant 7.900000e+01 : f32
      %min3A_661 = vector.broadcast %min3A_660 : f32 to vector<16xf32>
      %min3A_662 = arith.minimumf %max3A_659, %min3A_661 : vector<16xf32>
      %convert_element_type3A_663 = arith.fptosi %min3A_662 : vector<16xf32> to vector<16xi32>
      %gather3A_664 = tpu.vector_load_idx %arg8[%convert_element_type3A_663] : memref<80xf32, #tpu.memory_space<vmem>>[vector<16xi32>], vector<16xf32>,
      %gather3A_665 = tpu.vector_load_idx %arg9[%convert_element_type3A_663] : memref<80xf32, #tpu.memory_space<vmem>>[vector<16xi32>], vector<16xf32>,
      %mul3A_666 = arith.mulf %add3A_647, %gather3A_665 : vector<16xf32>
      %add3A_667 = arith.addf %gather3A_664, %mul3A_666 : vector<16xf32>
      %get3A_668 = arith.index_cast %add3A_260 : i32 to index
      %get3A_669 = arith.constant 64 : index
      %get3A_670 = tpu.vector_load %arg5[%get3A_668, %get3A_669] {strides = array<i32>} : memref<8x128xf32, #tpu.memory_space<vmem>>, vector<16xf32>,
      %mul3A_671 = arith.constant 8.000000e+00 : f32
      %mul3A_672 = vector.broadcast %mul3A_671 : f32 to vector<16xf32>
      %mul3A_673 = arith.mulf %get3A_670, %mul3A_672 : vector<16xf32>
      %add3A_674 = arith.constant 0x4B400008 : f32
      %add3A_675 = vector.broadcast %add3A_674 : f32 to vector<16xf32>
      %add3A_676 = arith.addf %mul3A_673, %add3A_675 : vector<16xf32>
      %sub3A_677 = arith.constant 0x4B400000 : f32
      %sub3A_678 = vector.broadcast %sub3A_677 : f32 to vector<16xf32>
      %sub3A_679 = arith.subf %add3A_676, %sub3A_678 : vector<16xf32>
      %max3A_680 = arith.constant 0.000000e+00 : f32
      %max3A_681 = vector.broadcast %max3A_680 : f32 to vector<16xf32>
      %max3A_682 = arith.maximumf %sub3A_679, %max3A_681 : vector<16xf32>
      %min3A_683 = arith.constant 1.500000e+01 : f32
      %min3A_684 = vector.broadcast %min3A_683 : f32 to vector<16xf32>
      %min3A_685 = arith.minimumf %max3A_682, %min3A_684 : vector<16xf32>
      %convert_element_type3A_686 = arith.fptosi %min3A_685 : vector<16xf32> to vector<16xi32>
      %gather3A_687 = tpu.vector_load_idx %arg8[%convert_element_type3A_686] : memref<80xf32, #tpu.memory_space<vmem>>[vector<16xi32>], vector<16xf32>,
      %gather3A_688 = tpu.vector_load_idx %arg9[%convert_element_type3A_686] : memref<80xf32, #tpu.memory_space<vmem>>[vector<16xi32>], vector<16xf32>,
      %mul3A_689 = arith.mulf %get3A_670, %gather3A_688 : vector<16xf32>
      %add3A_690 = arith.addf %gather3A_687, %mul3A_689 : vector<16xf32>
      %mul3A_691 = arith.constant 8.000000e+00 : f32
      %mul3A_692 = vector.broadcast %mul3A_691 : f32 to vector<16xf32>
      %mul3A_693 = arith.mulf %add3A_690, %mul3A_692 : vector<16xf32>
      %add3A_694 = arith.constant 0x4B400018 : f32
      %add3A_695 = vector.broadcast %add3A_694 : f32 to vector<16xf32>
      %add3A_696 = arith.addf %mul3A_693, %add3A_695 : vector<16xf32>
      %sub3A_697 = arith.constant 0x4B400000 : f32
      %sub3A_698 = vector.broadcast %sub3A_697 : f32 to vector<16xf32>
      %sub3A_699 = arith.subf %add3A_696, %sub3A_698 : vector<16xf32>
      %max3A_700 = arith.constant 1.600000e+01 : f32
      %max3A_701 = vector.broadcast %max3A_700 : f32 to vector<16xf32>
      %max3A_702 = arith.maximumf %sub3A_699, %max3A_701 : vector<16xf32>
      %min3A_703 = arith.constant 3.100000e+01 : f32
      %min3A_704 = vector.broadcast %min3A_703 : f32 to vector<16xf32>
      %min3A_705 = arith.minimumf %max3A_702, %min3A_704 : vector<16xf32>
      %convert_element_type3A_706 = arith.fptosi %min3A_705 : vector<16xf32> to vector<16xi32>
      %gather3A_707 = tpu.vector_load_idx %arg8[%convert_element_type3A_706] : memref<80xf32, #tpu.memory_space<vmem>>[vector<16xi32>], vector<16xf32>,
      %gather3A_708 = tpu.vector_load_idx %arg9[%convert_element_type3A_706] : memref<80xf32, #tpu.memory_space<vmem>>[vector<16xi32>], vector<16xf32>,
      %mul3A_709 = arith.mulf %add3A_690, %gather3A_708 : vector<16xf32>
      %add3A_710 = arith.addf %gather3A_707, %mul3A_709 : vector<16xf32>
      %mul3A_711 = arith.constant 8.000000e+00 : f32
      %mul3A_712 = vector.broadcast %mul3A_711 : f32 to vector<16xf32>
      %mul3A_713 = arith.mulf %add3A_710, %mul3A_712 : vector<16xf32>
      %add3A_714 = arith.constant 0x4B400028 : f32
      %add3A_715 = vector.broadcast %add3A_714 : f32 to vector<16xf32>
      %add3A_716 = arith.addf %mul3A_713, %add3A_715 : vector<16xf32>
      %sub3A_717 = arith.constant 0x4B400000 : f32
      %sub3A_718 = vector.broadcast %sub3A_717 : f32 to vector<16xf32>
      %sub3A_719 = arith.subf %add3A_716, %sub3A_718 : vector<16xf32>
      %max3A_720 = arith.constant 3.200000e+01 : f32
      %max3A_721 = vector.broadcast %max3A_720 : f32 to vector<16xf32>
      %max3A_722 = arith.maximumf %sub3A_719, %max3A_721 : vector<16xf32>
      %min3A_723 = arith.constant 4.700000e+01 : f32
      %min3A_724 = vector.broadcast %min3A_723 : f32 to vector<16xf32>
      %min3A_725 = arith.minimumf %max3A_722, %min3A_724 : vector<16xf32>
      %convert_element_type3A_726 = arith.fptosi %min3A_725 : vector<16xf32> to vector<16xi32>
      %gather3A_727 = tpu.vector_load_idx %arg8[%convert_element_type3A_726] : memref<80xf32, #tpu.memory_space<vmem>>[vector<16xi32>], vector<16xf32>,
      %gather3A_728 = tpu.vector_load_idx %arg9[%convert_element_type3A_726] : memref<80xf32, #tpu.memory_space<vmem>>[vector<16xi32>], vector<16xf32>,
      %mul3A_729 = arith.mulf %add3A_710, %gather3A_728 : vector<16xf32>
      %add3A_730 = arith.addf %gather3A_727, %mul3A_729 : vector<16xf32>
      %mul3A_731 = arith.constant 8.000000e+00 : f32
      %mul3A_732 = vector.broadcast %mul3A_731 : f32 to vector<16xf32>
      %mul3A_733 = arith.mulf %add3A_730, %mul3A_732 : vector<16xf32>
      %add3A_734 = arith.constant 0x4B400038 : f32
      %add3A_735 = vector.broadcast %add3A_734 : f32 to vector<16xf32>
      %add3A_736 = arith.addf %mul3A_733, %add3A_735 : vector<16xf32>
      %sub3A_737 = arith.constant 0x4B400000 : f32
      %sub3A_738 = vector.broadcast %sub3A_737 : f32 to vector<16xf32>
      %sub3A_739 = arith.subf %add3A_736, %sub3A_738 : vector<16xf32>
      %max3A_740 = arith.constant 4.800000e+01 : f32
      %max3A_741 = vector.broadcast %max3A_740 : f32 to vector<16xf32>
      %max3A_742 = arith.maximumf %sub3A_739, %max3A_741 : vector<16xf32>
      %min3A_743 = arith.constant 6.300000e+01 : f32
      %min3A_744 = vector.broadcast %min3A_743 : f32 to vector<16xf32>
      %min3A_745 = arith.minimumf %max3A_742, %min3A_744 : vector<16xf32>
      %convert_element_type3A_746 = arith.fptosi %min3A_745 : vector<16xf32> to vector<16xi32>
      %gather3A_747 = tpu.vector_load_idx %arg8[%convert_element_type3A_746] : memref<80xf32, #tpu.memory_space<vmem>>[vector<16xi32>], vector<16xf32>,
      %gather3A_748 = tpu.vector_load_idx %arg9[%convert_element_type3A_746] : memref<80xf32, #tpu.memory_space<vmem>>[vector<16xi32>], vector<16xf32>,
      %mul3A_749 = arith.mulf %add3A_730, %gather3A_748 : vector<16xf32>
      %add3A_750 = arith.addf %gather3A_747, %mul3A_749 : vector<16xf32>
      %mul3A_751 = arith.constant 8.000000e+00 : f32
      %mul3A_752 = vector.broadcast %mul3A_751 : f32 to vector<16xf32>
      %mul3A_753 = arith.mulf %add3A_750, %mul3A_752 : vector<16xf32>
      %add3A_754 = arith.constant 0x4B400048 : f32
      %add3A_755 = vector.broadcast %add3A_754 : f32 to vector<16xf32>
      %add3A_756 = arith.addf %mul3A_753, %add3A_755 : vector<16xf32>
      %sub3A_757 = arith.constant 0x4B400000 : f32
      %sub3A_758 = vector.broadcast %sub3A_757 : f32 to vector<16xf32>
      %sub3A_759 = arith.subf %add3A_756, %sub3A_758 : vector<16xf32>
      %max3A_760 = arith.constant 6.400000e+01 : f32
      %max3A_761 = vector.broadcast %max3A_760 : f32 to vector<16xf32>
      %max3A_762 = arith.maximumf %sub3A_759, %max3A_761 : vector<16xf32>
      %min3A_763 = arith.constant 7.900000e+01 : f32
      %min3A_764 = vector.broadcast %min3A_763 : f32 to vector<16xf32>
      %min3A_765 = arith.minimumf %max3A_762, %min3A_764 : vector<16xf32>
      %convert_element_type3A_766 = arith.fptosi %min3A_765 : vector<16xf32> to vector<16xi32>
      %gather3A_767 = tpu.vector_load_idx %arg8[%convert_element_type3A_766] : memref<80xf32, #tpu.memory_space<vmem>>[vector<16xi32>], vector<16xf32>,
      %gather3A_768 = tpu.vector_load_idx %arg9[%convert_element_type3A_766] : memref<80xf32, #tpu.memory_space<vmem>>[vector<16xi32>], vector<16xf32>,
      %mul3A_769 = arith.mulf %add3A_750, %gather3A_768 : vector<16xf32>
      %add3A_770 = arith.addf %gather3A_767, %mul3A_769 : vector<16xf32>
      %get3A_771 = arith.index_cast %add3A_260 : i32 to index
      %get3A_772 = arith.constant 80 : index
      %get3A_773 = tpu.vector_load %arg5[%get3A_771, %get3A_772] {strides = array<i32>} : memref<8x128xf32, #tpu.memory_space<vmem>>, vector<16xf32>,
      %mul3A_774 = arith.constant 8.000000e+00 : f32
      %mul3A_775 = vector.broadcast %mul3A_774 : f32 to vector<16xf32>
      %mul3A_776 = arith.mulf %get3A_773, %mul3A_775 : vector<16xf32>
      %add3A_777 = arith.constant 0x4B400008 : f32
      %add3A_778 = vector.broadcast %add3A_777 : f32 to vector<16xf32>
      %add3A_779 = arith.addf %mul3A_776, %add3A_778 : vector<16xf32>
      %sub3A_780 = arith.constant 0x4B400000 : f32
      %sub3A_781 = vector.broadcast %sub3A_780 : f32 to vector<16xf32>
      %sub3A_782 = arith.subf %add3A_779, %sub3A_781 : vector<16xf32>
      %max3A_783 = arith.constant 0.000000e+00 : f32
      %max3A_784 = vector.broadcast %max3A_783 : f32 to vector<16xf32>
      %max3A_785 = arith.maximumf %sub3A_782, %max3A_784 : vector<16xf32>
      %min3A_786 = arith.constant 1.500000e+01 : f32
      %min3A_787 = vector.broadcast %min3A_786 : f32 to vector<16xf32>
      %min3A_788 = arith.minimumf %max3A_785, %min3A_787 : vector<16xf32>
      %convert_element_type3A_789 = arith.fptosi %min3A_788 : vector<16xf32> to vector<16xi32>
      %gather3A_790 = tpu.vector_load_idx %arg8[%convert_element_type3A_789] : memref<80xf32, #tpu.memory_space<vmem>>[vector<16xi32>], vector<16xf32>,
      %gather3A_791 = tpu.vector_load_idx %arg9[%convert_element_type3A_789] : memref<80xf32, #tpu.memory_space<vmem>>[vector<16xi32>], vector<16xf32>,
      %mul3A_792 = arith.mulf %get3A_773, %gather3A_791 : vector<16xf32>
      %add3A_793 = arith.addf %gather3A_790, %mul3A_792 : vector<16xf32>
      %mul3A_794 = arith.constant 8.000000e+00 : f32
      %mul3A_795 = vector.broadcast %mul3A_794 : f32 to vector<16xf32>
      %mul3A_796 = arith.mulf %add3A_793, %mul3A_795 : vector<16xf32>
      %add3A_797 = arith.constant 0x4B400018 : f32
      %add3A_798 = vector.broadcast %add3A_797 : f32 to vector<16xf32>
      %add3A_799 = arith.addf %mul3A_796, %add3A_798 : vector<16xf32>
      %sub3A_800 = arith.constant 0x4B400000 : f32
      %sub3A_801 = vector.broadcast %sub3A_800 : f32 to vector<16xf32>
      %sub3A_802 = arith.subf %add3A_799, %sub3A_801 : vector<16xf32>
      %max3A_803 = arith.constant 1.600000e+01 : f32
      %max3A_804 = vector.broadcast %max3A_803 : f32 to vector<16xf32>
      %max3A_805 = arith.maximumf %sub3A_802, %max3A_804 : vector<16xf32>
      %min3A_806 = arith.constant 3.100000e+01 : f32
      %min3A_807 = vector.broadcast %min3A_806 : f32 to vector<16xf32>
      %min3A_808 = arith.minimumf %max3A_805, %min3A_807 : vector<16xf32>
      %convert_element_type3A_809 = arith.fptosi %min3A_808 : vector<16xf32> to vector<16xi32>
      %gather3A_810 = tpu.vector_load_idx %arg8[%convert_element_type3A_809] : memref<80xf32, #tpu.memory_space<vmem>>[vector<16xi32>], vector<16xf32>,
      %gather3A_811 = tpu.vector_load_idx %arg9[%convert_element_type3A_809] : memref<80xf32, #tpu.memory_space<vmem>>[vector<16xi32>], vector<16xf32>,
      %mul3A_812 = arith.mulf %add3A_793, %gather3A_811 : vector<16xf32>
      %add3A_813 = arith.addf %gather3A_810, %mul3A_812 : vector<16xf32>
      %mul3A_814 = arith.constant 8.000000e+00 : f32
      %mul3A_815 = vector.broadcast %mul3A_814 : f32 to vector<16xf32>
      %mul3A_816 = arith.mulf %add3A_813, %mul3A_815 : vector<16xf32>
      %add3A_817 = arith.constant 0x4B400028 : f32
      %add3A_818 = vector.broadcast %add3A_817 : f32 to vector<16xf32>
      %add3A_819 = arith.addf %mul3A_816, %add3A_818 : vector<16xf32>
      %sub3A_820 = arith.constant 0x4B400000 : f32
      %sub3A_821 = vector.broadcast %sub3A_820 : f32 to vector<16xf32>
      %sub3A_822 = arith.subf %add3A_819, %sub3A_821 : vector<16xf32>
      %max3A_823 = arith.constant 3.200000e+01 : f32
      %max3A_824 = vector.broadcast %max3A_823 : f32 to vector<16xf32>
      %max3A_825 = arith.maximumf %sub3A_822, %max3A_824 : vector<16xf32>
      %min3A_826 = arith.constant 4.700000e+01 : f32
      %min3A_827 = vector.broadcast %min3A_826 : f32 to vector<16xf32>
      %min3A_828 = arith.minimumf %max3A_825, %min3A_827 : vector<16xf32>
      %convert_element_type3A_829 = arith.fptosi %min3A_828 : vector<16xf32> to vector<16xi32>
      %gather3A_830 = tpu.vector_load_idx %arg8[%convert_element_type3A_829] : memref<80xf32, #tpu.memory_space<vmem>>[vector<16xi32>], vector<16xf32>,
      %gather3A_831 = tpu.vector_load_idx %arg9[%convert_element_type3A_829] : memref<80xf32, #tpu.memory_space<vmem>>[vector<16xi32>], vector<16xf32>,
      %mul3A_832 = arith.mulf %add3A_813, %gather3A_831 : vector<16xf32>
      %add3A_833 = arith.addf %gather3A_830, %mul3A_832 : vector<16xf32>
      %mul3A_834 = arith.constant 8.000000e+00 : f32
      %mul3A_835 = vector.broadcast %mul3A_834 : f32 to vector<16xf32>
      %mul3A_836 = arith.mulf %add3A_833, %mul3A_835 : vector<16xf32>
      %add3A_837 = arith.constant 0x4B400038 : f32
      %add3A_838 = vector.broadcast %add3A_837 : f32 to vector<16xf32>
      %add3A_839 = arith.addf %mul3A_836, %add3A_838 : vector<16xf32>
      %sub3A_840 = arith.constant 0x4B400000 : f32
      %sub3A_841 = vector.broadcast %sub3A_840 : f32 to vector<16xf32>
      %sub3A_842 = arith.subf %add3A_839, %sub3A_841 : vector<16xf32>
      %max3A_843 = arith.constant 4.800000e+01 : f32
      %max3A_844 = vector.broadcast %max3A_843 : f32 to vector<16xf32>
      %max3A_845 = arith.maximumf %sub3A_842, %max3A_844 : vector<16xf32>
      %min3A_846 = arith.constant 6.300000e+01 : f32
      %min3A_847 = vector.broadcast %min3A_846 : f32 to vector<16xf32>
      %min3A_848 = arith.minimumf %max3A_845, %min3A_847 : vector<16xf32>
      %convert_element_type3A_849 = arith.fptosi %min3A_848 : vector<16xf32> to vector<16xi32>
      %gather3A_850 = tpu.vector_load_idx %arg8[%convert_element_type3A_849] : memref<80xf32, #tpu.memory_space<vmem>>[vector<16xi32>], vector<16xf32>,
      %gather3A_851 = tpu.vector_load_idx %arg9[%convert_element_type3A_849] : memref<80xf32, #tpu.memory_space<vmem>>[vector<16xi32>], vector<16xf32>,
      %mul3A_852 = arith.mulf %add3A_833, %gather3A_851 : vector<16xf32>
      %add3A_853 = arith.addf %gather3A_850, %mul3A_852 : vector<16xf32>
      %mul3A_854 = arith.constant 8.000000e+00 : f32
      %mul3A_855 = vector.broadcast %mul3A_854 : f32 to vector<16xf32>
      %mul3A_856 = arith.mulf %add3A_853, %mul3A_855 : vector<16xf32>
      %add3A_857 = arith.constant 0x4B400048 : f32
      %add3A_858 = vector.broadcast %add3A_857 : f32 to vector<16xf32>
      %add3A_859 = arith.addf %mul3A_856, %add3A_858 : vector<16xf32>
      %sub3A_860 = arith.constant 0x4B400000 : f32
      %sub3A_861 = vector.broadcast %sub3A_860 : f32 to vector<16xf32>
      %sub3A_862 = arith.subf %add3A_859, %sub3A_861 : vector<16xf32>
      %max3A_863 = arith.constant 6.400000e+01 : f32
      %max3A_864 = vector.broadcast %max3A_863 : f32 to vector<16xf32>
      %max3A_865 = arith.maximumf %sub3A_862, %max3A_864 : vector<16xf32>
      %min3A_866 = arith.constant 7.900000e+01 : f32
      %min3A_867 = vector.broadcast %min3A_866 : f32 to vector<16xf32>
      %min3A_868 = arith.minimumf %max3A_865, %min3A_867 : vector<16xf32>
      %convert_element_type3A_869 = arith.fptosi %min3A_868 : vector<16xf32> to vector<16xi32>
      %gather3A_870 = tpu.vector_load_idx %arg8[%convert_element_type3A_869] : memref<80xf32, #tpu.memory_space<vmem>>[vector<16xi32>], vector<16xf32>,
      %gather3A_871 = tpu.vector_load_idx %arg9[%convert_element_type3A_869] : memref<80xf32, #tpu.memory_space<vmem>>[vector<16xi32>], vector<16xf32>,
      %mul3A_872 = arith.mulf %add3A_853, %gather3A_871 : vector<16xf32>
      %add3A_873 = arith.addf %gather3A_870, %mul3A_872 : vector<16xf32>
      %get3A_874 = arith.index_cast %add3A_260 : i32 to index
      %get3A_875 = arith.constant 96 : index
      %get3A_876 = tpu.vector_load %arg5[%get3A_874, %get3A_875] {strides = array<i32>} : memref<8x128xf32, #tpu.memory_space<vmem>>, vector<16xf32>,
      %mul3A_877 = arith.constant 8.000000e+00 : f32
      %mul3A_878 = vector.broadcast %mul3A_877 : f32 to vector<16xf32>
      %mul3A_879 = arith.mulf %get3A_876, %mul3A_878 : vector<16xf32>
      %add3A_880 = arith.constant 0x4B400008 : f32
      %add3A_881 = vector.broadcast %add3A_880 : f32 to vector<16xf32>
      %add3A_882 = arith.addf %mul3A_879, %add3A_881 : vector<16xf32>
      %sub3A_883 = arith.constant 0x4B400000 : f32
      %sub3A_884 = vector.broadcast %sub3A_883 : f32 to vector<16xf32>
      %sub3A_885 = arith.subf %add3A_882, %sub3A_884 : vector<16xf32>
      %max3A_886 = arith.constant 0.000000e+00 : f32
      %max3A_887 = vector.broadcast %max3A_886 : f32 to vector<16xf32>
      %max3A_888 = arith.maximumf %sub3A_885, %max3A_887 : vector<16xf32>
      %min3A_889 = arith.constant 1.500000e+01 : f32
      %min3A_890 = vector.broadcast %min3A_889 : f32 to vector<16xf32>
      %min3A_891 = arith.minimumf %max3A_888, %min3A_890 : vector<16xf32>
      %convert_element_type3A_892 = arith.fptosi %min3A_891 : vector<16xf32> to vector<16xi32>
      %gather3A_893 = tpu.vector_load_idx %arg8[%convert_element_type3A_892] : memref<80xf32, #tpu.memory_space<vmem>>[vector<16xi32>], vector<16xf32>,
      %gather3A_894 = tpu.vector_load_idx %arg9[%convert_element_type3A_892] : memref<80xf32, #tpu.memory_space<vmem>>[vector<16xi32>], vector<16xf32>,
      %mul3A_895 = arith.mulf %get3A_876, %gather3A_894 : vector<16xf32>
      %add3A_896 = arith.addf %gather3A_893, %mul3A_895 : vector<16xf32>
      %mul3A_897 = arith.constant 8.000000e+00 : f32
      %mul3A_898 = vector.broadcast %mul3A_897 : f32 to vector<16xf32>
      %mul3A_899 = arith.mulf %add3A_896, %mul3A_898 : vector<16xf32>
      %add3A_900 = arith.constant 0x4B400018 : f32
      %add3A_901 = vector.broadcast %add3A_900 : f32 to vector<16xf32>
      %add3A_902 = arith.addf %mul3A_899, %add3A_901 : vector<16xf32>
      %sub3A_903 = arith.constant 0x4B400000 : f32
      %sub3A_904 = vector.broadcast %sub3A_903 : f32 to vector<16xf32>
      %sub3A_905 = arith.subf %add3A_902, %sub3A_904 : vector<16xf32>
      %max3A_906 = arith.constant 1.600000e+01 : f32
      %max3A_907 = vector.broadcast %max3A_906 : f32 to vector<16xf32>
      %max3A_908 = arith.maximumf %sub3A_905, %max3A_907 : vector<16xf32>
      %min3A_909 = arith.constant 3.100000e+01 : f32
      %min3A_910 = vector.broadcast %min3A_909 : f32 to vector<16xf32>
      %min3A_911 = arith.minimumf %max3A_908, %min3A_910 : vector<16xf32>
      %convert_element_type3A_912 = arith.fptosi %min3A_911 : vector<16xf32> to vector<16xi32>
      %gather3A_913 = tpu.vector_load_idx %arg8[%convert_element_type3A_912] : memref<80xf32, #tpu.memory_space<vmem>>[vector<16xi32>], vector<16xf32>,
      %gather3A_914 = tpu.vector_load_idx %arg9[%convert_element_type3A_912] : memref<80xf32, #tpu.memory_space<vmem>>[vector<16xi32>], vector<16xf32>,
      %mul3A_915 = arith.mulf %add3A_896, %gather3A_914 : vector<16xf32>
      %add3A_916 = arith.addf %gather3A_913, %mul3A_915 : vector<16xf32>
      %mul3A_917 = arith.constant 8.000000e+00 : f32
      %mul3A_918 = vector.broadcast %mul3A_917 : f32 to vector<16xf32>
      %mul3A_919 = arith.mulf %add3A_916, %mul3A_918 : vector<16xf32>
      %add3A_920 = arith.constant 0x4B400028 : f32
      %add3A_921 = vector.broadcast %add3A_920 : f32 to vector<16xf32>
      %add3A_922 = arith.addf %mul3A_919, %add3A_921 : vector<16xf32>
      %sub3A_923 = arith.constant 0x4B400000 : f32
      %sub3A_924 = vector.broadcast %sub3A_923 : f32 to vector<16xf32>
      %sub3A_925 = arith.subf %add3A_922, %sub3A_924 : vector<16xf32>
      %max3A_926 = arith.constant 3.200000e+01 : f32
      %max3A_927 = vector.broadcast %max3A_926 : f32 to vector<16xf32>
      %max3A_928 = arith.maximumf %sub3A_925, %max3A_927 : vector<16xf32>
      %min3A_929 = arith.constant 4.700000e+01 : f32
      %min3A_930 = vector.broadcast %min3A_929 : f32 to vector<16xf32>
      %min3A_931 = arith.minimumf %max3A_928, %min3A_930 : vector<16xf32>
      %convert_element_type3A_932 = arith.fptosi %min3A_931 : vector<16xf32> to vector<16xi32>
      %gather3A_933 = tpu.vector_load_idx %arg8[%convert_element_type3A_932] : memref<80xf32, #tpu.memory_space<vmem>>[vector<16xi32>], vector<16xf32>,
      %gather3A_934 = tpu.vector_load_idx %arg9[%convert_element_type3A_932] : memref<80xf32, #tpu.memory_space<vmem>>[vector<16xi32>], vector<16xf32>,
      %mul3A_935 = arith.mulf %add3A_916, %gather3A_934 : vector<16xf32>
      %add3A_936 = arith.addf %gather3A_933, %mul3A_935 : vector<16xf32>
      %mul3A_937 = arith.constant 8.000000e+00 : f32
      %mul3A_938 = vector.broadcast %mul3A_937 : f32 to vector<16xf32>
      %mul3A_939 = arith.mulf %add3A_936, %mul3A_938 : vector<16xf32>
      %add3A_940 = arith.constant 0x4B400038 : f32
      %add3A_941 = vector.broadcast %add3A_940 : f32 to vector<16xf32>
      %add3A_942 = arith.addf %mul3A_939, %add3A_941 : vector<16xf32>
      %sub3A_943 = arith.constant 0x4B400000 : f32
      %sub3A_944 = vector.broadcast %sub3A_943 : f32 to vector<16xf32>
      %sub3A_945 = arith.subf %add3A_942, %sub3A_944 : vector<16xf32>
      %max3A_946 = arith.constant 4.800000e+01 : f32
      %max3A_947 = vector.broadcast %max3A_946 : f32 to vector<16xf32>
      %max3A_948 = arith.maximumf %sub3A_945, %max3A_947 : vector<16xf32>
      %min3A_949 = arith.constant 6.300000e+01 : f32
      %min3A_950 = vector.broadcast %min3A_949 : f32 to vector<16xf32>
      %min3A_951 = arith.minimumf %max3A_948, %min3A_950 : vector<16xf32>
      %convert_element_type3A_952 = arith.fptosi %min3A_951 : vector<16xf32> to vector<16xi32>
      %gather3A_953 = tpu.vector_load_idx %arg8[%convert_element_type3A_952] : memref<80xf32, #tpu.memory_space<vmem>>[vector<16xi32>], vector<16xf32>,
      %gather3A_954 = tpu.vector_load_idx %arg9[%convert_element_type3A_952] : memref<80xf32, #tpu.memory_space<vmem>>[vector<16xi32>], vector<16xf32>,
      %mul3A_955 = arith.mulf %add3A_936, %gather3A_954 : vector<16xf32>
      %add3A_956 = arith.addf %gather3A_953, %mul3A_955 : vector<16xf32>
      %mul3A_957 = arith.constant 8.000000e+00 : f32
      %mul3A_958 = vector.broadcast %mul3A_957 : f32 to vector<16xf32>
      %mul3A_959 = arith.mulf %add3A_956, %mul3A_958 : vector<16xf32>
      %add3A_960 = arith.constant 0x4B400048 : f32
      %add3A_961 = vector.broadcast %add3A_960 : f32 to vector<16xf32>
      %add3A_962 = arith.addf %mul3A_959, %add3A_961 : vector<16xf32>
      %sub3A_963 = arith.constant 0x4B400000 : f32
      %sub3A_964 = vector.broadcast %sub3A_963 : f32 to vector<16xf32>
      %sub3A_965 = arith.subf %add3A_962, %sub3A_964 : vector<16xf32>
      %max3A_966 = arith.constant 6.400000e+01 : f32
      %max3A_967 = vector.broadcast %max3A_966 : f32 to vector<16xf32>
      %max3A_968 = arith.maximumf %sub3A_965, %max3A_967 : vector<16xf32>
      %min3A_969 = arith.constant 7.900000e+01 : f32
      %min3A_970 = vector.broadcast %min3A_969 : f32 to vector<16xf32>
      %min3A_971 = arith.minimumf %max3A_968, %min3A_970 : vector<16xf32>
      %convert_element_type3A_972 = arith.fptosi %min3A_971 : vector<16xf32> to vector<16xi32>
      %gather3A_973 = tpu.vector_load_idx %arg8[%convert_element_type3A_972] : memref<80xf32, #tpu.memory_space<vmem>>[vector<16xi32>], vector<16xf32>,
      %gather3A_974 = tpu.vector_load_idx %arg9[%convert_element_type3A_972] : memref<80xf32, #tpu.memory_space<vmem>>[vector<16xi32>], vector<16xf32>,
      %mul3A_975 = arith.mulf %add3A_956, %gather3A_974 : vector<16xf32>
      %add3A_976 = arith.addf %gather3A_973, %mul3A_975 : vector<16xf32>
      %get3A_977 = arith.index_cast %add3A_260 : i32 to index
      %get3A_978 = arith.constant 112 : index
      %get3A_979 = tpu.vector_load %arg5[%get3A_977, %get3A_978] {strides = array<i32>} : memref<8x128xf32, #tpu.memory_space<vmem>>, vector<16xf32>,
      %mul3A_980 = arith.constant 8.000000e+00 : f32
      %mul3A_981 = vector.broadcast %mul3A_980 : f32 to vector<16xf32>
      %mul3A_982 = arith.mulf %get3A_979, %mul3A_981 : vector<16xf32>
      %add3A_983 = arith.constant 0x4B400008 : f32
      %add3A_984 = vector.broadcast %add3A_983 : f32 to vector<16xf32>
      %add3A_985 = arith.addf %mul3A_982, %add3A_984 : vector<16xf32>
      %sub3A_986 = arith.constant 0x4B400000 : f32
      %sub3A_987 = vector.broadcast %sub3A_986 : f32 to vector<16xf32>
      %sub3A_988 = arith.subf %add3A_985, %sub3A_987 : vector<16xf32>
      %max3A_989 = arith.constant 0.000000e+00 : f32
      %max3A_990 = vector.broadcast %max3A_989 : f32 to vector<16xf32>
      %max3A_991 = arith.maximumf %sub3A_988, %max3A_990 : vector<16xf32>
      %min3A_992 = arith.constant 1.500000e+01 : f32
      %min3A_993 = vector.broadcast %min3A_992 : f32 to vector<16xf32>
      %min3A_994 = arith.minimumf %max3A_991, %min3A_993 : vector<16xf32>
      %convert_element_type3A_995 = arith.fptosi %min3A_994 : vector<16xf32> to vector<16xi32>
      %gather3A_996 = tpu.vector_load_idx %arg8[%convert_element_type3A_995] : memref<80xf32, #tpu.memory_space<vmem>>[vector<16xi32>], vector<16xf32>,
      %gather3A_997 = tpu.vector_load_idx %arg9[%convert_element_type3A_995] : memref<80xf32, #tpu.memory_space<vmem>>[vector<16xi32>], vector<16xf32>,
      %mul3A_998 = arith.mulf %get3A_979, %gather3A_997 : vector<16xf32>
      %add3A_999 = arith.addf %gather3A_996, %mul3A_998 : vector<16xf32>
      %mul3A_1000 = arith.constant 8.000000e+00 : f32
      %mul3A_1001 = vector.broadcast %mul3A_1000 : f32 to vector<16xf32>
      %mul3A_1002 = arith.mulf %add3A_999, %mul3A_1001 : vector<16xf32>
      %add3A_1003 = arith.constant 0x4B400018 : f32
      %add3A_1004 = vector.broadcast %add3A_1003 : f32 to vector<16xf32>
      %add3A_1005 = arith.addf %mul3A_1002, %add3A_1004 : vector<16xf32>
      %sub3A_1006 = arith.constant 0x4B400000 : f32
      %sub3A_1007 = vector.broadcast %sub3A_1006 : f32 to vector<16xf32>
      %sub3A_1008 = arith.subf %add3A_1005, %sub3A_1007 : vector<16xf32>
      %max3A_1009 = arith.constant 1.600000e+01 : f32
      %max3A_1010 = vector.broadcast %max3A_1009 : f32 to vector<16xf32>
      %max3A_1011 = arith.maximumf %sub3A_1008, %max3A_1010 : vector<16xf32>
      %min3A_1012 = arith.constant 3.100000e+01 : f32
      %min3A_1013 = vector.broadcast %min3A_1012 : f32 to vector<16xf32>
      %min3A_1014 = arith.minimumf %max3A_1011, %min3A_1013 : vector<16xf32>
      %convert_element_type3A_1015 = arith.fptosi %min3A_1014 : vector<16xf32> to vector<16xi32>
      %gather3A_1016 = tpu.vector_load_idx %arg8[%convert_element_type3A_1015] : memref<80xf32, #tpu.memory_space<vmem>>[vector<16xi32>], vector<16xf32>,
      %gather3A_1017 = tpu.vector_load_idx %arg9[%convert_element_type3A_1015] : memref<80xf32, #tpu.memory_space<vmem>>[vector<16xi32>], vector<16xf32>,
      %mul3A_1018 = arith.mulf %add3A_999, %gather3A_1017 : vector<16xf32>
      %add3A_1019 = arith.addf %gather3A_1016, %mul3A_1018 : vector<16xf32>
      %mul3A_1020 = arith.constant 8.000000e+00 : f32
      %mul3A_1021 = vector.broadcast %mul3A_1020 : f32 to vector<16xf32>
      %mul3A_1022 = arith.mulf %add3A_1019, %mul3A_1021 : vector<16xf32>
      %add3A_1023 = arith.constant 0x4B400028 : f32
      %add3A_1024 = vector.broadcast %add3A_1023 : f32 to vector<16xf32>
      %add3A_1025 = arith.addf %mul3A_1022, %add3A_1024 : vector<16xf32>
      %sub3A_1026 = arith.constant 0x4B400000 : f32
      %sub3A_1027 = vector.broadcast %sub3A_1026 : f32 to vector<16xf32>
      %sub3A_1028 = arith.subf %add3A_1025, %sub3A_1027 : vector<16xf32>
      %max3A_1029 = arith.constant 3.200000e+01 : f32
      %max3A_1030 = vector.broadcast %max3A_1029 : f32 to vector<16xf32>
      %max3A_1031 = arith.maximumf %sub3A_1028, %max3A_1030 : vector<16xf32>
      %min3A_1032 = arith.constant 4.700000e+01 : f32
      %min3A_1033 = vector.broadcast %min3A_1032 : f32 to vector<16xf32>
      %min3A_1034 = arith.minimumf %max3A_1031, %min3A_1033 : vector<16xf32>
      %convert_element_type3A_1035 = arith.fptosi %min3A_1034 : vector<16xf32> to vector<16xi32>
      %gather3A_1036 = tpu.vector_load_idx %arg8[%convert_element_type3A_1035] : memref<80xf32, #tpu.memory_space<vmem>>[vector<16xi32>], vector<16xf32>,
      %gather3A_1037 = tpu.vector_load_idx %arg9[%convert_element_type3A_1035] : memref<80xf32, #tpu.memory_space<vmem>>[vector<16xi32>], vector<16xf32>,
      %mul3A_1038 = arith.mulf %add3A_1019, %gather3A_1037 : vector<16xf32>
      %add3A_1039 = arith.addf %gather3A_1036, %mul3A_1038 : vector<16xf32>
      %mul3A_1040 = arith.constant 8.000000e+00 : f32
      %mul3A_1041 = vector.broadcast %mul3A_1040 : f32 to vector<16xf32>
      %mul3A_1042 = arith.mulf %add3A_1039, %mul3A_1041 : vector<16xf32>
      %add3A_1043 = arith.constant 0x4B400038 : f32
      %add3A_1044 = vector.broadcast %add3A_1043 : f32 to vector<16xf32>
      %add3A_1045 = arith.addf %mul3A_1042, %add3A_1044 : vector<16xf32>
      %sub3A_1046 = arith.constant 0x4B400000 : f32
      %sub3A_1047 = vector.broadcast %sub3A_1046 : f32 to vector<16xf32>
      %sub3A_1048 = arith.subf %add3A_1045, %sub3A_1047 : vector<16xf32>
      %max3A_1049 = arith.constant 4.800000e+01 : f32
      %max3A_1050 = vector.broadcast %max3A_1049 : f32 to vector<16xf32>
      %max3A_1051 = arith.maximumf %sub3A_1048, %max3A_1050 : vector<16xf32>
      %min3A_1052 = arith.constant 6.300000e+01 : f32
      %min3A_1053 = vector.broadcast %min3A_1052 : f32 to vector<16xf32>
      %min3A_1054 = arith.minimumf %max3A_1051, %min3A_1053 : vector<16xf32>
      %convert_element_type3A_1055 = arith.fptosi %min3A_1054 : vector<16xf32> to vector<16xi32>
      %gather3A_1056 = tpu.vector_load_idx %arg8[%convert_element_type3A_1055] : memref<80xf32, #tpu.memory_space<vmem>>[vector<16xi32>], vector<16xf32>,
      %gather3A_1057 = tpu.vector_load_idx %arg9[%convert_element_type3A_1055] : memref<80xf32, #tpu.memory_space<vmem>>[vector<16xi32>], vector<16xf32>,
      %mul3A_1058 = arith.mulf %add3A_1039, %gather3A_1057 : vector<16xf32>
      %add3A_1059 = arith.addf %gather3A_1056, %mul3A_1058 : vector<16xf32>
      %mul3A_1060 = arith.constant 8.000000e+00 : f32
      %mul3A_1061 = vector.broadcast %mul3A_1060 : f32 to vector<16xf32>
      %mul3A_1062 = arith.mulf %add3A_1059, %mul3A_1061 : vector<16xf32>
      %add3A_1063 = arith.constant 0x4B400048 : f32
      %add3A_1064 = vector.broadcast %add3A_1063 : f32 to vector<16xf32>
      %add3A_1065 = arith.addf %mul3A_1062, %add3A_1064 : vector<16xf32>
      %sub3A_1066 = arith.constant 0x4B400000 : f32
      %sub3A_1067 = vector.broadcast %sub3A_1066 : f32 to vector<16xf32>
      %sub3A_1068 = arith.subf %add3A_1065, %sub3A_1067 : vector<16xf32>
      %max3A_1069 = arith.constant 6.400000e+01 : f32
      %max3A_1070 = vector.broadcast %max3A_1069 : f32 to vector<16xf32>
      %max3A_1071 = arith.maximumf %sub3A_1068, %max3A_1070 : vector<16xf32>
      %min3A_1072 = arith.constant 7.900000e+01 : f32
      %min3A_1073 = vector.broadcast %min3A_1072 : f32 to vector<16xf32>
      %min3A_1074 = arith.minimumf %max3A_1071, %min3A_1073 : vector<16xf32>
      %convert_element_type3A_1075 = arith.fptosi %min3A_1074 : vector<16xf32> to vector<16xi32>
      %gather3A_1076 = tpu.vector_load_idx %arg8[%convert_element_type3A_1075] : memref<80xf32, #tpu.memory_space<vmem>>[vector<16xi32>], vector<16xf32>,
      %gather3A_1077 = tpu.vector_load_idx %arg9[%convert_element_type3A_1075] : memref<80xf32, #tpu.memory_space<vmem>>[vector<16xi32>], vector<16xf32>,
      %mul3A_1078 = arith.mulf %add3A_1059, %gather3A_1077 : vector<16xf32>
      %add3A_1079 = arith.addf %gather3A_1076, %mul3A_1078 : vector<16xf32>
      %add3A_1080 = arith.addf %add3A_358, %add3A_461 : vector<16xf32>
      %add3A_1081 = arith.addf %add3A_564, %add3A_667 : vector<16xf32>
      %add3A_1082 = arith.addf %add3A_770, %add3A_873 : vector<16xf32>
      %add3A_1083 = arith.addf %add3A_976, %add3A_1079 : vector<16xf32>
      %add3A_1084 = arith.addf %add3A_1080, %add3A_1081 : vector<16xf32>
      %add3A_1085 = arith.addf %add3A_1082, %add3A_1083 : vector<16xf32>
      %add3A_1086 = arith.addf %add3A_1084, %add3A_1085 : vector<16xf32>
      %reduce_sum3A = arith.constant true
      %reduce_sum3A_1087 = vector.broadcast %reduce_sum3A : i1 to vector<16xi1>
      %reduce_sum3A_1088 = tpu.scan <sum>, %add3A_1086 masked %reduce_sum3A_1087 : vector<16xf32>, vector<16xi1> -> vector<16xf32>
      %reduce_sum3A_1089 = vector.extract %reduce_sum3A_1088[15] : f32 from vector<16xf32>
      %broadcast_in_dim3A = vector.broadcast %reduce_sum3A_1089 : f32 to vector<16xf32>
      %swap3A_1090 = arith.index_cast %add3A_260 : i32 to index
      %swap3A_1091 = arith.constant 0 : index
      %swap3A_1092 = tpu.vector_load %arg6[%swap3A_1090, %swap3A_1091] {strides = array<i32>} : memref<8x64xf32, #tpu.memory_space<vmem>>, vector<16xf32>,
      tpu.vector_store %arg6[%swap3A_1090, %swap3A_1091], %broadcast_in_dim3A {strides = array<i32>} : memref<8x64xf32, #tpu.memory_space<vmem>>, vector<16xf32>,
      %swap3A_1093 = arith.index_cast %add3A_260 : i32 to index
      %swap3A_1094 = arith.constant 16 : index
      %swap3A_1095 = tpu.vector_load %arg6[%swap3A_1093, %swap3A_1094] {strides = array<i32>} : memref<8x64xf32, #tpu.memory_space<vmem>>, vector<16xf32>,
      tpu.vector_store %arg6[%swap3A_1093, %swap3A_1094], %broadcast_in_dim3A {strides = array<i32>} : memref<8x64xf32, #tpu.memory_space<vmem>>, vector<16xf32>,
      %swap3A_1096 = arith.index_cast %add3A_260 : i32 to index
      %swap3A_1097 = arith.constant 32 : index
      %swap3A_1098 = tpu.vector_load %arg6[%swap3A_1096, %swap3A_1097] {strides = array<i32>} : memref<8x64xf32, #tpu.memory_space<vmem>>, vector<16xf32>,
      tpu.vector_store %arg6[%swap3A_1096, %swap3A_1097], %broadcast_in_dim3A {strides = array<i32>} : memref<8x64xf32, #tpu.memory_space<vmem>>, vector<16xf32>,
      %swap3A_1099 = arith.index_cast %add3A_260 : i32 to index
      %swap3A_1100 = arith.constant 48 : index
      %swap3A_1101 = tpu.vector_load %arg6[%swap3A_1099, %swap3A_1100] {strides = array<i32>} : memref<8x64xf32, #tpu.memory_space<vmem>>, vector<16xf32>,
      tpu.vector_store %arg6[%swap3A_1099, %swap3A_1100], %broadcast_in_dim3A {strides = array<i32>} : memref<8x64xf32, #tpu.memory_space<vmem>>, vector<16xf32>,
    }
    %scan3A_255 = arith.constant 8 : i32
    "tpu.region"() ({
      %run_scoped3A = tpu.sem_alloc : memref<!tpu.dma_semaphore, #tpu.memory_space<semaphore_mem>>
      %dma_start3A_256 = arith.constant 0 : i32
      %dma_start3A_257 = tpu.memref_slice %arg4[%mul3A_2, %dma_start3A_256] : memref<256x64xf32, #tpu.memory_space<hbm>> -> memref<8x64xf32, #tpu.memory_space<hbm>>
      %dma_start3A_258 = arith.constant 0 : i32
      %dma_start3A_259 = tpu.memref_slice %arg4[%mul3A_2, %dma_start3A_258] : memref<256x64xf32, #tpu.memory_space<hbm>> -> memref<8x64xf32, #tpu.memory_space<hbm>>
      tpu.enqueue_dma source(%arg6 : memref<8x64xf32, #tpu.memory_space<vmem>>) target(%dma_start3A_259 : memref<8x64xf32, #tpu.memory_space<hbm>>) target_semaphore(%run_scoped3A : memref<!tpu.dma_semaphore, #tpu.memory_space<semaphore_mem>>)
      %dma_wait3A_260 = arith.constant 0 : i32
      %dma_wait3A_261 = tpu.memref_slice %arg4[%mul3A_2, %dma_wait3A_260] : memref<256x64xf32, #tpu.memory_space<hbm>> -> memref<8x64xf32, #tpu.memory_space<hbm>>
      %dma_wait3A_262 = arith.constant 0 : i32
      %dma_wait3A_263 = tpu.memref_slice %arg4[%mul3A_2, %dma_wait3A_262] : memref<256x64xf32, #tpu.memory_space<hbm>> -> memref<8x64xf32, #tpu.memory_space<hbm>>
      tpu.wait_dma2 semaphore(%run_scoped3A : memref<!tpu.dma_semaphore, #tpu.memory_space<semaphore_mem>>) src(%arg6 : memref<8x64xf32, #tpu.memory_space<vmem>>) dst(%dma_wait3A_263 : memref<8x64xf32, #tpu.memory_space<hbm>>)
      tpu.yield
    }) : () -> ()
    return
  }
}

module attributes {stable_mosaic.version = 14 : i64} {
  func.func @_tc_body(%arg0: memref<1024x128xf32, #tpu.memory_space<vmem>>, %arg1: memref<5x16xf32, #tpu.memory_space<vmem>>, %arg2: memref<768x64xf32, #tpu.memory_space<vmem>>) attributes {dimension_semantics = [], scalar_prefetch = 0 : i64, scratch_operands = 0 : i64, tpu.core_type = #tpu.core_type<tc>} {
    %get3A = arith.constant 0 : index
    %get3A_0 = arith.constant 0 : index
    %get3A_1 = vector.load %arg1[%get3A, %get3A_0] : memref<5x16xf32, #tpu.memory_space<vmem>>, vector<5x16xf32>
    %cos3A = math.cos %get3A_1 : vector<5x16xf32>
    %div3A = arith.constant 5.000000e+00 : f32
    %div3A_2 = vector.broadcast %div3A : f32 to vector<5x16xf32>
    %div3A_3 = arith.divf %cos3A, %div3A_2 : vector<5x16xf32>
    %sin3A = math.sin %get3A_1 : vector<5x16xf32>
    %div3A_4 = arith.constant 5.000000e+00 : f32
    %div3A_5 = vector.broadcast %div3A_4 : f32 to vector<5x16xf32>
    %div3A_6 = arith.divf %sin3A, %div3A_5 : vector<5x16xf32>
    %get3A_7 = arith.constant 256 : index
    %get3A_8 = arith.constant 0 : index
    %get3A_9 = vector.load %arg0[%get3A_7, %get3A_8] : memref<1024x128xf32, #tpu.memory_space<vmem>>, vector<768x128xf32>
    %add3A = arith.constant 1.000000e+00 : f32
    %add3A_10 = vector.broadcast %add3A : f32 to vector<768x128xf32>
    %add3A_11 = arith.addf %add3A_10, %get3A_9 : vector<768x128xf32>
    %mul3A = arith.constant 8.000000e+00 : f32
    %mul3A_12 = vector.broadcast %mul3A : f32 to vector<768x128xf32>
    %mul3A_13 = arith.mulf %add3A_11, %mul3A_12 : vector<768x128xf32>
    %round3A = math.roundeven %mul3A_13 : vector<768x128xf32>
    %jit3A = arith.constant 0.000000e+00 : f32
    %jit3A_14 = arith.constant 1.500000e+01 : f32
    %max3A = vector.broadcast %jit3A : f32 to vector<768x128xf32>
    %max3A_15 = arith.maximumf %max3A, %round3A : vector<768x128xf32>
    %min3A = vector.broadcast %jit3A_14 : f32 to vector<768x128xf32>
    %min3A_16 = arith.minimumf %min3A, %max3A_15 : vector<768x128xf32>
    %convert_element_type3A = arith.fptosi %min3A_16 : vector<768x128xf32> to vector<768x128xi32>
    %slice3A = vector.extract_strided_slice %div3A_3 {offsets = [0, 0], sizes = [1, 16], strides = [1, 1]} : vector<5x16xf32> to vector<1x16xf32>
    %squeeze3A = vector.shape_cast %slice3A : vector<1x16xf32> to vector<16xf32>
    %broadcast_in_dim3A = vector.shape_cast %squeeze3A : vector<16xf32> to vector<1x16xf32>
    %broadcast_in_dim3A_17 = vector.shape_cast %broadcast_in_dim3A : vector<1x16xf32> to vector<1x16xf32>
    %broadcast_in_dim3A_18 = vector.broadcast %broadcast_in_dim3A_17 : vector<1x16xf32> to vector<768x16xf32>
    %slice3A_19 = vector.extract_strided_slice %div3A_6 {offsets = [0, 0], sizes = [1, 16], strides = [1, 1]} : vector<5x16xf32> to vector<1x16xf32>
    %squeeze3A_20 = vector.shape_cast %slice3A_19 : vector<1x16xf32> to vector<16xf32>
    %broadcast_in_dim3A_21 = vector.shape_cast %squeeze3A_20 : vector<16xf32> to vector<1x16xf32>
    %broadcast_in_dim3A_22 = vector.shape_cast %broadcast_in_dim3A_21 : vector<1x16xf32> to vector<1x16xf32>
    %broadcast_in_dim3A_23 = vector.broadcast %broadcast_in_dim3A_22 : vector<1x16xf32> to vector<768x16xf32>
    %lt3A = arith.constant 0 : i32
    %lt3A_24 = vector.broadcast %lt3A : i32 to vector<768x128xi32>
    %lt3A_25 = arith.cmpi slt, %convert_element_type3A, %lt3A_24 : vector<768x128xi32>
    %add3A_26 = arith.constant 16 : i32
    %add3A_27 = vector.broadcast %add3A_26 : i32 to vector<768x128xi32>
    %add3A_28 = arith.addi %convert_element_type3A, %add3A_27 : vector<768x128xi32>
    %select_n3A = arith.select %lt3A_25, %add3A_28, %convert_element_type3A : vector<768x128xi1>, vector<768x128xi32>
    %reshape3A = vector.shape_cast %select_n3A : vector<768x128xi32> to vector<768x128x1xi32>
    %gather3A = vector.shape_cast %reshape3A : vector<768x128x1xi32> to vector<768x128xi32>
    %gather3A_29 = tpu.dynamic_gather %broadcast_in_dim3A_18[%gather3A] in [1] : vector<768x16xf32>, vector<768x128xi32> -> vector<768x128xf32>
    %lt3A_30 = arith.constant 0 : i32
    %lt3A_31 = vector.broadcast %lt3A_30 : i32 to vector<768x128xi32>
    %lt3A_32 = arith.cmpi slt, %convert_element_type3A, %lt3A_31 : vector<768x128xi32>
    %add3A_33 = arith.constant 16 : i32
    %add3A_34 = vector.broadcast %add3A_33 : i32 to vector<768x128xi32>
    %add3A_35 = arith.addi %convert_element_type3A, %add3A_34 : vector<768x128xi32>
    %select_n3A_36 = arith.select %lt3A_32, %add3A_35, %convert_element_type3A : vector<768x128xi1>, vector<768x128xi32>
    %reshape3A_37 = vector.shape_cast %select_n3A_36 : vector<768x128xi32> to vector<768x128x1xi32>
    %gather3A_38 = vector.shape_cast %reshape3A_37 : vector<768x128x1xi32> to vector<768x128xi32>
    %gather3A_39 = tpu.dynamic_gather %broadcast_in_dim3A_23[%gather3A_38] in [1] : vector<768x16xf32>, vector<768x128xi32> -> vector<768x128xf32>
    %mul3A_40 = arith.mulf %get3A_9, %gather3A_39 : vector<768x128xf32>
    %add3A_41 = arith.addf %gather3A_29, %mul3A_40 : vector<768x128xf32>
    %add3A_42 = arith.addf %get3A_9, %add3A_41 : vector<768x128xf32>
    %add3A_43 = arith.constant 1.000000e+00 : f32
    %add3A_44 = vector.broadcast %add3A_43 : f32 to vector<768x128xf32>
    %add3A_45 = arith.addf %add3A_44, %add3A_42 : vector<768x128xf32>
    %mul3A_46 = arith.constant 8.000000e+00 : f32
    %mul3A_47 = vector.broadcast %mul3A_46 : f32 to vector<768x128xf32>
    %mul3A_48 = arith.mulf %add3A_45, %mul3A_47 : vector<768x128xf32>
    %round3A_49 = math.roundeven %mul3A_48 : vector<768x128xf32>
    %jit3A_50 = arith.constant 0.000000e+00 : f32
    %jit3A_51 = arith.constant 1.500000e+01 : f32
    %max3A_52 = vector.broadcast %jit3A_50 : f32 to vector<768x128xf32>
    %max3A_53 = arith.maximumf %max3A_52, %round3A_49 : vector<768x128xf32>
    %min3A_54 = vector.broadcast %jit3A_51 : f32 to vector<768x128xf32>
    %min3A_55 = arith.minimumf %min3A_54, %max3A_53 : vector<768x128xf32>
    %convert_element_type3A_56 = arith.fptosi %min3A_55 : vector<768x128xf32> to vector<768x128xi32>
    %slice3A_57 = vector.extract_strided_slice %div3A_3 {offsets = [1, 0], sizes = [1, 16], strides = [1, 1]} : vector<5x16xf32> to vector<1x16xf32>
    %squeeze3A_58 = vector.shape_cast %slice3A_57 : vector<1x16xf32> to vector<16xf32>
    %broadcast_in_dim3A_59 = vector.shape_cast %squeeze3A_58 : vector<16xf32> to vector<1x16xf32>
    %broadcast_in_dim3A_60 = vector.shape_cast %broadcast_in_dim3A_59 : vector<1x16xf32> to vector<1x16xf32>
    %broadcast_in_dim3A_61 = vector.broadcast %broadcast_in_dim3A_60 : vector<1x16xf32> to vector<768x16xf32>
    %slice3A_62 = vector.extract_strided_slice %div3A_6 {offsets = [1, 0], sizes = [1, 16], strides = [1, 1]} : vector<5x16xf32> to vector<1x16xf32>
    %squeeze3A_63 = vector.shape_cast %slice3A_62 : vector<1x16xf32> to vector<16xf32>
    %broadcast_in_dim3A_64 = vector.shape_cast %squeeze3A_63 : vector<16xf32> to vector<1x16xf32>
    %broadcast_in_dim3A_65 = vector.shape_cast %broadcast_in_dim3A_64 : vector<1x16xf32> to vector<1x16xf32>
    %broadcast_in_dim3A_66 = vector.broadcast %broadcast_in_dim3A_65 : vector<1x16xf32> to vector<768x16xf32>
    %lt3A_67 = arith.constant 0 : i32
    %lt3A_68 = vector.broadcast %lt3A_67 : i32 to vector<768x128xi32>
    %lt3A_69 = arith.cmpi slt, %convert_element_type3A_56, %lt3A_68 : vector<768x128xi32>
    %add3A_70 = arith.constant 16 : i32
    %add3A_71 = vector.broadcast %add3A_70 : i32 to vector<768x128xi32>
    %add3A_72 = arith.addi %convert_element_type3A_56, %add3A_71 : vector<768x128xi32>
    %select_n3A_73 = arith.select %lt3A_69, %add3A_72, %convert_element_type3A_56 : vector<768x128xi1>, vector<768x128xi32>
    %reshape3A_74 = vector.shape_cast %select_n3A_73 : vector<768x128xi32> to vector<768x128x1xi32>
    %gather3A_75 = vector.shape_cast %reshape3A_74 : vector<768x128x1xi32> to vector<768x128xi32>
    %gather3A_76 = tpu.dynamic_gather %broadcast_in_dim3A_61[%gather3A_75] in [1] : vector<768x16xf32>, vector<768x128xi32> -> vector<768x128xf32>
    %lt3A_77 = arith.constant 0 : i32
    %lt3A_78 = vector.broadcast %lt3A_77 : i32 to vector<768x128xi32>
    %lt3A_79 = arith.cmpi slt, %convert_element_type3A_56, %lt3A_78 : vector<768x128xi32>
    %add3A_80 = arith.constant 16 : i32
    %add3A_81 = vector.broadcast %add3A_80 : i32 to vector<768x128xi32>
    %add3A_82 = arith.addi %convert_element_type3A_56, %add3A_81 : vector<768x128xi32>
    %select_n3A_83 = arith.select %lt3A_79, %add3A_82, %convert_element_type3A_56 : vector<768x128xi1>, vector<768x128xi32>
    %reshape3A_84 = vector.shape_cast %select_n3A_83 : vector<768x128xi32> to vector<768x128x1xi32>
    %gather3A_85 = vector.shape_cast %reshape3A_84 : vector<768x128x1xi32> to vector<768x128xi32>
    %gather3A_86 = tpu.dynamic_gather %broadcast_in_dim3A_66[%gather3A_85] in [1] : vector<768x16xf32>, vector<768x128xi32> -> vector<768x128xf32>
    %mul3A_87 = arith.mulf %add3A_42, %gather3A_86 : vector<768x128xf32>
    %add3A_88 = arith.addf %gather3A_76, %mul3A_87 : vector<768x128xf32>
    %add3A_89 = arith.addf %add3A_42, %add3A_88 : vector<768x128xf32>
    %add3A_90 = arith.constant 1.000000e+00 : f32
    %add3A_91 = vector.broadcast %add3A_90 : f32 to vector<768x128xf32>
    %add3A_92 = arith.addf %add3A_91, %add3A_89 : vector<768x128xf32>
    %mul3A_93 = arith.constant 8.000000e+00 : f32
    %mul3A_94 = vector.broadcast %mul3A_93 : f32 to vector<768x128xf32>
    %mul3A_95 = arith.mulf %add3A_92, %mul3A_94 : vector<768x128xf32>
    %round3A_96 = math.roundeven %mul3A_95 : vector<768x128xf32>
    %jit3A_97 = arith.constant 0.000000e+00 : f32
    %jit3A_98 = arith.constant 1.500000e+01 : f32
    %max3A_99 = vector.broadcast %jit3A_97 : f32 to vector<768x128xf32>
    %max3A_100 = arith.maximumf %max3A_99, %round3A_96 : vector<768x128xf32>
    %min3A_101 = vector.broadcast %jit3A_98 : f32 to vector<768x128xf32>
    %min3A_102 = arith.minimumf %min3A_101, %max3A_100 : vector<768x128xf32>
    %convert_element_type3A_103 = arith.fptosi %min3A_102 : vector<768x128xf32> to vector<768x128xi32>
    %slice3A_104 = vector.extract_strided_slice %div3A_3 {offsets = [2, 0], sizes = [1, 16], strides = [1, 1]} : vector<5x16xf32> to vector<1x16xf32>
    %squeeze3A_105 = vector.shape_cast %slice3A_104 : vector<1x16xf32> to vector<16xf32>
    %broadcast_in_dim3A_106 = vector.shape_cast %squeeze3A_105 : vector<16xf32> to vector<1x16xf32>
    %broadcast_in_dim3A_107 = vector.shape_cast %broadcast_in_dim3A_106 : vector<1x16xf32> to vector<1x16xf32>
    %broadcast_in_dim3A_108 = vector.broadcast %broadcast_in_dim3A_107 : vector<1x16xf32> to vector<768x16xf32>
    %slice3A_109 = vector.extract_strided_slice %div3A_6 {offsets = [2, 0], sizes = [1, 16], strides = [1, 1]} : vector<5x16xf32> to vector<1x16xf32>
    %squeeze3A_110 = vector.shape_cast %slice3A_109 : vector<1x16xf32> to vector<16xf32>
    %broadcast_in_dim3A_111 = vector.shape_cast %squeeze3A_110 : vector<16xf32> to vector<1x16xf32>
    %broadcast_in_dim3A_112 = vector.shape_cast %broadcast_in_dim3A_111 : vector<1x16xf32> to vector<1x16xf32>
    %broadcast_in_dim3A_113 = vector.broadcast %broadcast_in_dim3A_112 : vector<1x16xf32> to vector<768x16xf32>
    %lt3A_114 = arith.constant 0 : i32
    %lt3A_115 = vector.broadcast %lt3A_114 : i32 to vector<768x128xi32>
    %lt3A_116 = arith.cmpi slt, %convert_element_type3A_103, %lt3A_115 : vector<768x128xi32>
    %add3A_117 = arith.constant 16 : i32
    %add3A_118 = vector.broadcast %add3A_117 : i32 to vector<768x128xi32>
    %add3A_119 = arith.addi %convert_element_type3A_103, %add3A_118 : vector<768x128xi32>
    %select_n3A_120 = arith.select %lt3A_116, %add3A_119, %convert_element_type3A_103 : vector<768x128xi1>, vector<768x128xi32>
    %reshape3A_121 = vector.shape_cast %select_n3A_120 : vector<768x128xi32> to vector<768x128x1xi32>
    %gather3A_122 = vector.shape_cast %reshape3A_121 : vector<768x128x1xi32> to vector<768x128xi32>
    %gather3A_123 = tpu.dynamic_gather %broadcast_in_dim3A_108[%gather3A_122] in [1] : vector<768x16xf32>, vector<768x128xi32> -> vector<768x128xf32>
    %lt3A_124 = arith.constant 0 : i32
    %lt3A_125 = vector.broadcast %lt3A_124 : i32 to vector<768x128xi32>
    %lt3A_126 = arith.cmpi slt, %convert_element_type3A_103, %lt3A_125 : vector<768x128xi32>
    %add3A_127 = arith.constant 16 : i32
    %add3A_128 = vector.broadcast %add3A_127 : i32 to vector<768x128xi32>
    %add3A_129 = arith.addi %convert_element_type3A_103, %add3A_128 : vector<768x128xi32>
    %select_n3A_130 = arith.select %lt3A_126, %add3A_129, %convert_element_type3A_103 : vector<768x128xi1>, vector<768x128xi32>
    %reshape3A_131 = vector.shape_cast %select_n3A_130 : vector<768x128xi32> to vector<768x128x1xi32>
    %gather3A_132 = vector.shape_cast %reshape3A_131 : vector<768x128x1xi32> to vector<768x128xi32>
    %gather3A_133 = tpu.dynamic_gather %broadcast_in_dim3A_113[%gather3A_132] in [1] : vector<768x16xf32>, vector<768x128xi32> -> vector<768x128xf32>
    %mul3A_134 = arith.mulf %add3A_89, %gather3A_133 : vector<768x128xf32>
    %add3A_135 = arith.addf %gather3A_123, %mul3A_134 : vector<768x128xf32>
    %add3A_136 = arith.addf %add3A_89, %add3A_135 : vector<768x128xf32>
    %add3A_137 = arith.constant 1.000000e+00 : f32
    %add3A_138 = vector.broadcast %add3A_137 : f32 to vector<768x128xf32>
    %add3A_139 = arith.addf %add3A_138, %add3A_136 : vector<768x128xf32>
    %mul3A_140 = arith.constant 8.000000e+00 : f32
    %mul3A_141 = vector.broadcast %mul3A_140 : f32 to vector<768x128xf32>
    %mul3A_142 = arith.mulf %add3A_139, %mul3A_141 : vector<768x128xf32>
    %round3A_143 = math.roundeven %mul3A_142 : vector<768x128xf32>
    %jit3A_144 = arith.constant 0.000000e+00 : f32
    %jit3A_145 = arith.constant 1.500000e+01 : f32
    %max3A_146 = vector.broadcast %jit3A_144 : f32 to vector<768x128xf32>
    %max3A_147 = arith.maximumf %max3A_146, %round3A_143 : vector<768x128xf32>
    %min3A_148 = vector.broadcast %jit3A_145 : f32 to vector<768x128xf32>
    %min3A_149 = arith.minimumf %min3A_148, %max3A_147 : vector<768x128xf32>
    %convert_element_type3A_150 = arith.fptosi %min3A_149 : vector<768x128xf32> to vector<768x128xi32>
    %slice3A_151 = vector.extract_strided_slice %div3A_3 {offsets = [3, 0], sizes = [1, 16], strides = [1, 1]} : vector<5x16xf32> to vector<1x16xf32>
    %squeeze3A_152 = vector.shape_cast %slice3A_151 : vector<1x16xf32> to vector<16xf32>
    %broadcast_in_dim3A_153 = vector.shape_cast %squeeze3A_152 : vector<16xf32> to vector<1x16xf32>
    %broadcast_in_dim3A_154 = vector.shape_cast %broadcast_in_dim3A_153 : vector<1x16xf32> to vector<1x16xf32>
    %broadcast_in_dim3A_155 = vector.broadcast %broadcast_in_dim3A_154 : vector<1x16xf32> to vector<768x16xf32>
    %slice3A_156 = vector.extract_strided_slice %div3A_6 {offsets = [3, 0], sizes = [1, 16], strides = [1, 1]} : vector<5x16xf32> to vector<1x16xf32>
    %squeeze3A_157 = vector.shape_cast %slice3A_156 : vector<1x16xf32> to vector<16xf32>
    %broadcast_in_dim3A_158 = vector.shape_cast %squeeze3A_157 : vector<16xf32> to vector<1x16xf32>
    %broadcast_in_dim3A_159 = vector.shape_cast %broadcast_in_dim3A_158 : vector<1x16xf32> to vector<1x16xf32>
    %broadcast_in_dim3A_160 = vector.broadcast %broadcast_in_dim3A_159 : vector<1x16xf32> to vector<768x16xf32>
    %lt3A_161 = arith.constant 0 : i32
    %lt3A_162 = vector.broadcast %lt3A_161 : i32 to vector<768x128xi32>
    %lt3A_163 = arith.cmpi slt, %convert_element_type3A_150, %lt3A_162 : vector<768x128xi32>
    %add3A_164 = arith.constant 16 : i32
    %add3A_165 = vector.broadcast %add3A_164 : i32 to vector<768x128xi32>
    %add3A_166 = arith.addi %convert_element_type3A_150, %add3A_165 : vector<768x128xi32>
    %select_n3A_167 = arith.select %lt3A_163, %add3A_166, %convert_element_type3A_150 : vector<768x128xi1>, vector<768x128xi32>
    %reshape3A_168 = vector.shape_cast %select_n3A_167 : vector<768x128xi32> to vector<768x128x1xi32>
    %gather3A_169 = vector.shape_cast %reshape3A_168 : vector<768x128x1xi32> to vector<768x128xi32>
    %gather3A_170 = tpu.dynamic_gather %broadcast_in_dim3A_155[%gather3A_169] in [1] : vector<768x16xf32>, vector<768x128xi32> -> vector<768x128xf32>
    %lt3A_171 = arith.constant 0 : i32
    %lt3A_172 = vector.broadcast %lt3A_171 : i32 to vector<768x128xi32>
    %lt3A_173 = arith.cmpi slt, %convert_element_type3A_150, %lt3A_172 : vector<768x128xi32>
    %add3A_174 = arith.constant 16 : i32
    %add3A_175 = vector.broadcast %add3A_174 : i32 to vector<768x128xi32>
    %add3A_176 = arith.addi %convert_element_type3A_150, %add3A_175 : vector<768x128xi32>
    %select_n3A_177 = arith.select %lt3A_173, %add3A_176, %convert_element_type3A_150 : vector<768x128xi1>, vector<768x128xi32>
    %reshape3A_178 = vector.shape_cast %select_n3A_177 : vector<768x128xi32> to vector<768x128x1xi32>
    %gather3A_179 = vector.shape_cast %reshape3A_178 : vector<768x128x1xi32> to vector<768x128xi32>
    %gather3A_180 = tpu.dynamic_gather %broadcast_in_dim3A_160[%gather3A_179] in [1] : vector<768x16xf32>, vector<768x128xi32> -> vector<768x128xf32>
    %mul3A_181 = arith.mulf %add3A_136, %gather3A_180 : vector<768x128xf32>
    %add3A_182 = arith.addf %gather3A_170, %mul3A_181 : vector<768x128xf32>
    %add3A_183 = arith.addf %add3A_136, %add3A_182 : vector<768x128xf32>
    %add3A_184 = arith.constant 1.000000e+00 : f32
    %add3A_185 = vector.broadcast %add3A_184 : f32 to vector<768x128xf32>
    %add3A_186 = arith.addf %add3A_185, %add3A_183 : vector<768x128xf32>
    %mul3A_187 = arith.constant 8.000000e+00 : f32
    %mul3A_188 = vector.broadcast %mul3A_187 : f32 to vector<768x128xf32>
    %mul3A_189 = arith.mulf %add3A_186, %mul3A_188 : vector<768x128xf32>
    %round3A_190 = math.roundeven %mul3A_189 : vector<768x128xf32>
    %jit3A_191 = arith.constant 0.000000e+00 : f32
    %jit3A_192 = arith.constant 1.500000e+01 : f32
    %max3A_193 = vector.broadcast %jit3A_191 : f32 to vector<768x128xf32>
    %max3A_194 = arith.maximumf %max3A_193, %round3A_190 : vector<768x128xf32>
    %min3A_195 = vector.broadcast %jit3A_192 : f32 to vector<768x128xf32>
    %min3A_196 = arith.minimumf %min3A_195, %max3A_194 : vector<768x128xf32>
    %convert_element_type3A_197 = arith.fptosi %min3A_196 : vector<768x128xf32> to vector<768x128xi32>
    %slice3A_198 = vector.extract_strided_slice %div3A_3 {offsets = [4, 0], sizes = [1, 16], strides = [1, 1]} : vector<5x16xf32> to vector<1x16xf32>
    %squeeze3A_199 = vector.shape_cast %slice3A_198 : vector<1x16xf32> to vector<16xf32>
    %broadcast_in_dim3A_200 = vector.shape_cast %squeeze3A_199 : vector<16xf32> to vector<1x16xf32>
    %broadcast_in_dim3A_201 = vector.shape_cast %broadcast_in_dim3A_200 : vector<1x16xf32> to vector<1x16xf32>
    %broadcast_in_dim3A_202 = vector.broadcast %broadcast_in_dim3A_201 : vector<1x16xf32> to vector<768x16xf32>
    %slice3A_203 = vector.extract_strided_slice %div3A_6 {offsets = [4, 0], sizes = [1, 16], strides = [1, 1]} : vector<5x16xf32> to vector<1x16xf32>
    %squeeze3A_204 = vector.shape_cast %slice3A_203 : vector<1x16xf32> to vector<16xf32>
    %broadcast_in_dim3A_205 = vector.shape_cast %squeeze3A_204 : vector<16xf32> to vector<1x16xf32>
    %broadcast_in_dim3A_206 = vector.shape_cast %broadcast_in_dim3A_205 : vector<1x16xf32> to vector<1x16xf32>
    %broadcast_in_dim3A_207 = vector.broadcast %broadcast_in_dim3A_206 : vector<1x16xf32> to vector<768x16xf32>
    %lt3A_208 = arith.constant 0 : i32
    %lt3A_209 = vector.broadcast %lt3A_208 : i32 to vector<768x128xi32>
    %lt3A_210 = arith.cmpi slt, %convert_element_type3A_197, %lt3A_209 : vector<768x128xi32>
    %add3A_211 = arith.constant 16 : i32
    %add3A_212 = vector.broadcast %add3A_211 : i32 to vector<768x128xi32>
    %add3A_213 = arith.addi %convert_element_type3A_197, %add3A_212 : vector<768x128xi32>
    %select_n3A_214 = arith.select %lt3A_210, %add3A_213, %convert_element_type3A_197 : vector<768x128xi1>, vector<768x128xi32>
    %reshape3A_215 = vector.shape_cast %select_n3A_214 : vector<768x128xi32> to vector<768x128x1xi32>
    %gather3A_216 = vector.shape_cast %reshape3A_215 : vector<768x128x1xi32> to vector<768x128xi32>
    %gather3A_217 = tpu.dynamic_gather %broadcast_in_dim3A_202[%gather3A_216] in [1] : vector<768x16xf32>, vector<768x128xi32> -> vector<768x128xf32>
    %lt3A_218 = arith.constant 0 : i32
    %lt3A_219 = vector.broadcast %lt3A_218 : i32 to vector<768x128xi32>
    %lt3A_220 = arith.cmpi slt, %convert_element_type3A_197, %lt3A_219 : vector<768x128xi32>
    %add3A_221 = arith.constant 16 : i32
    %add3A_222 = vector.broadcast %add3A_221 : i32 to vector<768x128xi32>
    %add3A_223 = arith.addi %convert_element_type3A_197, %add3A_222 : vector<768x128xi32>
    %select_n3A_224 = arith.select %lt3A_220, %add3A_223, %convert_element_type3A_197 : vector<768x128xi1>, vector<768x128xi32>
    %reshape3A_225 = vector.shape_cast %select_n3A_224 : vector<768x128xi32> to vector<768x128x1xi32>
    %gather3A_226 = vector.shape_cast %reshape3A_225 : vector<768x128x1xi32> to vector<768x128xi32>
    %gather3A_227 = tpu.dynamic_gather %broadcast_in_dim3A_207[%gather3A_226] in [1] : vector<768x16xf32>, vector<768x128xi32> -> vector<768x128xf32>
    %mul3A_228 = arith.mulf %add3A_183, %gather3A_227 : vector<768x128xf32>
    %add3A_229 = arith.addf %gather3A_217, %mul3A_228 : vector<768x128xf32>
    %add3A_230 = arith.addf %add3A_183, %add3A_229 : vector<768x128xf32>
    %reduce_sum3A = arith.constant dense<0.000000e+00> : vector<768xf32>
    %reduce_sum3A_231 = vector.multi_reduction <add>, %add3A_230, %reduce_sum3A [1] : vector<768x128xf32> to vector<768xf32>
    %broadcast_in_dim3A_232 = vector.shape_cast %reduce_sum3A_231 : vector<768xf32> to vector<768x1xf32>
    %broadcast_in_dim3A_233 = vector.shape_cast %broadcast_in_dim3A_232 : vector<768x1xf32> to vector<768x1xf32>
    %broadcast_in_dim3A_234 = vector.broadcast %broadcast_in_dim3A_233 : vector<768x1xf32> to vector<768x64xf32>
    %swap3A = arith.constant 0 : index
    %swap3A_235 = arith.constant 0 : index
    %swap3A_236 = vector.load %arg2[%swap3A, %swap3A_235] : memref<768x64xf32, #tpu.memory_space<vmem>>, vector<768x64xf32>
    tpu.vector_store %arg2[%swap3A, %swap3A_235], %broadcast_in_dim3A_234 {strides = array<i32>} : memref<768x64xf32, #tpu.memory_space<vmem>>, vector<768x64xf32>,
    return
  }
}

</mosaic_0001>

<sc_bundles>
// kernel: kernel.4.cloned.1.call-start
scs
__scs_entry_jumppad:
0x0: {  	(pc) =	sbr.rel $0x88, $3  }
0x1: {  	(tag) =	ssettag $0x0;
	lr =	simm.s32 $0x1  }
0x2: {  	[smem:$0x3F9F] =	sst lr;
	_ =	strace $0xD0000000  }
0x3: {  	_ = 	snop  }
0x4: {  	_ = 	snop  }
0x5: {  	_ = 	snop  }
0x6: {  	_ = 	snop  }
0x7: {  	_ = 	snop  }
__scs_overlays_trampoline_lowered:
0x8: {  	[smem:$0x3FAE] =	sst s0  }
0x9: {  	[smem:$0x3FAF] =	sst s1  }
0xa: {  	[smem:$0x3FB0] =	sst s2  }
0xb: {  	[smem:$0x3FB1] =	sst s3  }
0xc: {  	[smem:$0x3FB2] =	sst s4  }
0xd: {  	[smem:$0x3FB3] =	sst s5  }
0xe: {  	[smem:$0x3FB4] =	sst s6  }
0xf: {  	[smem:$0x3FB5] =	sst s7  }
0x10: {  	[smem:$0x3FB6] =	sst s8  }
0x11: {  	[smem:$0x3FB7] =	sst s9;
	s0 =	simm.s32 @!p0 $0x0  }
0x12: {  	s1 =	sld [smem:$0x3F9D];
	s0 =	simm.s32 @p0 $0x1  }
0x13: {  	[smem:$0x3FB8] =	sst s0;
	s0 =	simm.s32 @!p1 $0x0  }
0x14: {  	s2 =	sld [smem:$0x3F9C];
	s0 =	simm.s32 @p1 $0x1  }
0x15: {  	[smem:$0x3FB9] =	sst s0;
	s0 =	simm.s32 @!p2 $0x0  }
0x16: {  	s3 =	sld [smem:$0x3FDB];
	s0 =	simm.s32 @p2 $0x1  }
0x17: {  	s4 =	simm.s32 $0x1BF5;
	[smem:$0x3FBB] =	sst s0  }
0x18: {  	s0 =	sld [smem:$0x3F9E];
	_ =	swait.ge [sflag:s4], $0x0  }
0x19: {  	s7 =	sld [smem:$0x3F9F]  }
0x1a: {  	s8 =	sadd.s32 $0xFFFFE003, lr  }
0x1b: {  	s9 =	sadd.s32 $0xFFFFFEF7, lr;
	s5 =	simm.s32 $0xFFFFFFFF;
	p2 =	slt.u32 s8, $0xFFFFF086  }
0x1c: {  	p1 =	slt.u32 s9, $0xF7A;
	s5 =	simm.s32 @!p2 $0x0  }
0x1d: {  	s5 =	simm.s32 @p1 $0x1;
	p0 =	seq.s32 s7, s2  }
0x1e: {  	s7 =	smul.u32 @!p0 $0xF7A, s2;
	p2 =	seq.s32 @!p0 s5, $0x0  }
0x1f: {  	s9 =	smul.u32 $0xF7A, s1;
	s8 =	simm.s32 @!p0 $0x1BF5;
	p2 =	por !p2, p0  }
0x20: {  	[sflag:s8] =	ssyncset.s32 @!p0 $0xFFFFF086;
	s6 =	sadd.s32 @!p0 s3, s7;
	s7 =	simm.s32 @!p0 $0x108  }
0x21: {  	s3 =	sadd.s32 s3, s9;
	s6 =	sadd.s32 @!p0 $0x88, s6;
	s7 =	simm.s32 @p2 $0x1082  }
0x22: {  	[simem:s7], [sflag:s8] =	dma.local @!p0 [hbm:s6], $0xF7A  }
0x23: {  	s9 =	sor.u32 $0xD0000000, s2;
	s6 =	simm.s32 $0x108;
	_ =	swait.ge @!p0 [sflag:s8], $0x0  }
0x24: {  	s3 =	sadd.s32 $0x88, s3;
	s6 =	simm.s32 @!p1 $0x1082;
	[sflag:s4] =	ssyncset.s32 $0xFFFFF086  }
0x25: {  	[simem:s6], [sflag:s4] =	dma.local [hbm:s3], $0xF7A  }
0x26: {  	[smem:$0x3F9F] =	sst s1;
	(tag) =	ssettag s2;
	_ =	strace s9  }
0x27: {  	s1 =	sld [smem:$0x3FAF]  }
0x28: {  	s2 =	sld [smem:$0x3FB0]  }
0x29: {  	s4 =	sld [smem:$0x3FB2]  }
0x2a: {  	p0 =	seq.s32 s5, $0x0;
	s5 =	sld [smem:$0x3FB3]  }
0x2b: {  	s6 =	sld [smem:$0x3FB4]  }
0x2c: {  	s7 =	sld [smem:$0x3FB5]  }
0x2d: {  	s3 =	simm.s32 $0x108;
	s8 =	sld [smem:$0x3FB6]  }
0x2e: {  	s3 =	simm.s32 @!p0 $0x1082;
	s9 =	sld [smem:$0x3FB7]  }
0x2f: {  	lr =	sadd.s32 s0, s3;
	s0 =	sld [smem:$0x3FAE]  }
0x30: {  	s3 =	sld [smem:$0x3FB1]  }
0x31: {  	[smem:$0x3FBA] =	sst s10  }
0x32: {  	s10 =	sld [smem:$0x3FB8];
	_ =	sdelay $0x3  }
0x33: {  	p0 =	seq.s32 s10, $0x1;
	s10 =	sld [smem:$0x3FBA];
	_ =	sdelay $0x3  }
0x34: {  	[smem:$0x3FBA] =	sst s10  }
0x35: {  	s10 =	sld [smem:$0x3FB9];
	_ =	sdelay $0x3  }
0x36: {  	p1 =	seq.s32 s10, $0x1;
	s10 =	sld [smem:$0x3FBA];
	_ =	sdelay $0x3  }
0x37: {  	[smem:$0x3FBA] =	sst s10  }
0x38: {  	s10 =	sld [smem:$0x3FBB]  }
0x39: {  	_ = 	snop;
	(pc) =	sbr.ind lr, $3  }
0x3a: {  	_ = 	snop  }
0x3b: {  	_ = 	snop  }
0x3c: {  	p2 =	seq.s32 s10, $0x1;
	s10 =	sld [smem:$0x3FBA]  }
0x3d: {  	_ =	shalt  }
0x3e: {  	_ =	shalt  }
0x3f: {  	_ =	shalt  }
0x40: {  	_ =	shalt  }
0x41: {  	_ =	shalt  }
0x42: {  	_ =	shalt  }
0x43: {  	_ =	shalt  }
0x44: {  	_ =	shalt  }
0x45: {  	_ =	shalt  }
0x46: {  	_ =	shalt  }
0x47: {  	_ =	shalt  }
0x48: {  	_ =	shalt  }
0x49: {  	_ =	shalt  }
0x4a: {  	_ =	shalt  }
0x4b: {  	_ =	shalt  }
0x4c: {  	_ =	shalt  }
0x4d: {  	_ =	shalt  }
0x4e: {  	_ =	shalt  }
0x4f: {  	_ =	shalt  }
0x50: {  	_ =	shalt  }
0x51: {  	_ =	shalt  }
0x52: {  	_ =	shalt  }
0x53: {  	_ =	shalt  }
0x54: {  	_ =	shalt  }
0x55: {  	_ =	shalt  }
0x56: {  	_ =	shalt  }
0x57: {  	_ =	shalt  }
0x58: {  	_ =	shalt  }
0x59: {  	_ =	shalt  }
0x5a: {  	_ =	shalt  }
0x5b: {  	_ =	shalt  }
0x5c: {  	_ =	shalt  }
0x5d: {  	_ =	shalt  }
0x5e: {  	_ =	shalt  }
0x5f: {  	_ =	shalt  }
0x60: {  	_ =	shalt  }
0x61: {  	_ =	shalt  }
0x62: {  	_ =	shalt  }
0x63: {  	_ =	shalt  }
0x64: {  	_ =	shalt  }
0x65: {  	_ =	shalt  }
0x66: {  	_ =	shalt  }
0x67: {  	_ =	shalt  }
0x68: {  	_ =	shalt  }
0x69: {  	_ =	shalt  }
0x6a: {  	_ =	shalt  }
0x6b: {  	_ =	shalt  }
0x6c: {  	_ =	shalt  }
0x6d: {  	_ =	shalt  }
0x6e: {  	_ =	shalt  }
0x6f: {  	_ =	shalt  }
0x70: {  	_ =	shalt  }
0x71: {  	_ =	shalt  }
0x72: {  	_ =	shalt  }
0x73: {  	_ =	shalt  }
0x74: {  	_ =	shalt  }
0x75: {  	_ =	shalt  }
0x76: {  	_ =	shalt  }
0x77: {  	_ =	shalt  }
0x78: {  	_ =	shalt  }
0x79: {  	_ =	shalt  }
0x7a: {  	_ =	shalt  }
0x7b: {  	_ =	shalt  }
0x7c: {  	_ =	shalt  }
0x7d: {  	_ =	shalt  }
0x7e: {  	_ =	shalt  }
0x7f: {  	_ =	shalt  }
0x80: {  	_ =	shalt  }
0x81: {  	_ =	shalt  }
0x82: {  	_ =	shalt  }
0x83: {  	_ =	shalt  }
0x84: {  	_ =	shalt  }
0x85: {  	_ =	shalt  }
0x86: {  	_ =	shalt  }
0x87: {  	_ =	shalt  }
.Lfunc_end0:
.L_simem_size_0:
called_computation_lowered:
.L_overlay_start_0:
0x88: {  	s2 =	sld [smem:$0x3FD9]  }
0x89: {  	s3 =	sld [smem:$0x3FFE];
	_ =	sdelay $0x1  }
0x8a: {  	s1 =	srdreg.scid  }
0x8b: {  	s0 =	sand.u32 $0x1, s1  }
0x8c: {  	s18 =	sshll.u32 s0, $0xA;
	s2 =	sadd.s32 s3, s2  }
0x8d: {  	s2 =	sadd.s32 s2, s18  }
0x8e: {  	[smem:$0x3FC6] =	sst s2  }
0x8f: {  	_ = 	snop  }
0x90: {  	s2 =	sld [smem:$0x3FC9]  }
0x91: {  	s19 =	sld [smem:$0x3FC8]  }
0x92: {  	s4 =	sld [smem:$0x3FD0];
	(tm) =	ssettm $0x1  }
0x93: {  	s5 =	sld [smem:$0x3FFB];
	_ =	sdelay $0x3  }
0x94: {  	_ =	strace s5  }
0x95: {  	s5 =	sld [smem:$0x3FFC];
	_ =	sdelay $0x3  }
0x96: {  	_ =	strace s5  }
0x97: {  	s5 =	sld [smem:$0x3FFD];
	_ =	sdelay $0x3  }
0x98: {  	_ =	strace s5  }
0x99: {  	_ =	strace $0x8FFFFFFF  }
0x9a: {  	s20 =	sld [smem:$0x3FDB];
	_ =	sdelay $0x1  }
0x9b: {  	s6 =	simm.s32 $_scs_section_size  }
0x9c: {  	s7 =	simm.s32 $_size__tile_overlayer_lowered;
	s8 =	simm.s32 $_tile_overlayer_lowered  }
0x9d: {  	s23 =	simm.s32 $0x1BFF;
	s22 =	sshll.u32 s8, $0x1;
	s5 =	sadd.s32 s6, s20  }
0x9e: {  	s9 =	simm.s32 $0x0;
	s21 =	sshll.u32 s7, $0x1;
	s7 =	sadd.s32 s22, s5  }
0x9f: {  	[timem:s9], [sflag:s23] =	dma.local [hbm:s7], s21  }
0xa0: {  	_ =	swait.ge [sflag:s23], s21  }
0xa1: {  	s6 =	ssub.s32 $0x0, s21;
	[sflag:s23] =	ssyncset.done $0x0  }
0xa2: {  	[sflag:s23] =	ssyncadd.s32 s6;
	_ =	sdelay $0x1  }
0xa3: {  	s24 =	simm.s32 $0x1B8B  }
0xa4: {  	_ =	swait.ge [sflag:s24], $0x1  }
0xa5: {  	[sflag:s24] =	ssyncset.done $0x0  }
0xa6: {  	s25 =	simm.s32 $0x1B8E;
	[sflag:s24] =	ssyncadd.s32 $0xFFFFFFFF  }
0xa7: {  	s26 =	simm.s32 $execute0_lowered;
	[smem:$0x3FD2] =	sst s25  }
0xa8: {  	s6 =	sshll.u32 s26, $0x1;
	_ =	strace $0x80000046;
	[dreg:$0x1] =	wrdreg $0xFFFFFFFF  }
0xa9: {  	s28 =	simm.s32 $_size_execute0_lowered;
	s5 =	sadd.s32 s5, s6;
	[dreg:$0x0] =	wrdreg $0x0  }
0xaa: {  	s6 =	sshll.u32 s28, $0x1;
	[dreg:$0x2] =	wrdreg s5  }
0xab: {  	[dreg:$0x3] =	wrdreg s6  }
0xac: {  	[dreg:$0x4] =	wrdreg $0xC0  }
0xad: {  	_ =	task [dreg:s9], $0x5FFFF  }
0xae: {  	[dreg:$0x1] =	wrdreg $0xFFFFFFFF  }
0xaf: {  	[dreg:$0x0] =	wrdreg $0x60  }
0xb0: {  	[dreg:$0x2] =	wrdreg s2  }
0xb1: {  	[dreg:$0x3] =	wrdreg s19  }
0xb2: {  	[dreg:$0x4] =	wrdreg s4  }
0xb3: {  	[dreg:$0x5] =	wrdreg $0x9  }
0xb4: {  	_ =	task.clear_ibuf [dreg:s9], $0x6FFFF;
	_ =	strace $0x90000046  }
0xb5: {  	s29 =	simm.s32 $0x9;
	_ =	strace $0x80000048  }
0xb6: {  	_ =	swait.ge [sflag:s29], $0x1  }
0xb7: {  	[sflag:s29] =	ssyncadd.s32 $0xFFFFFFFF  }
0xb8: {  	_ =	strace $0x90000048  }
0xb9: {  	_ =	sfence  }
0xba: {  	s30 =	sld [smem:$0x0];
	_ =	sdelay $0x2  }
0xbb: {  	s31 =	sshll.u32 s1, $0xD;
	s1 =	sshrl.u32 s1, $0x2  }
0xbc: {  	s3 =	sand.u32 $0x4000, s31;
	s1 =	sadd.s32 s1, s30  }
0xbd: {  	s0 =	sor.u32 s3, s0;
	s1 =	sshll.u32 s1, $0x11  }
0xbe: {  	s0 =	sor.u32 s1, s0  }
0xbf: {  	s0 =	sadd.s32 $0x8F2B, s0  }
0xc0: {  	[sflag:s0] =	ssyncadd.remote.s32 $0x1  }
0xc1: {  	_ =	sfence.sel $0xFFFF  }
0xc2: {  	[dreg:$0x0] =	wrdreg $0xFFFFFFFF;
	(pc) =	sbr.abs _section_cstart, $3  }
0xc3: {  	[dreg:$0x1] =	wrdreg $0xFFFFFFFF  }
0xc4: {  	_ =	task.clear_ibuf [dreg:s9], $0x2FFFF;
	_ =	strace $0x9FFFFFFF  }
0xc5: {  	(tm) =	ssettm $0x7FFFFFFF  }
tec
execute0_lowered:
.L_overlay_start_1:
0x0: {  	(tag) =	ssettag $0x1  }
0x1: {  	s4 =	rddreg [dreg:$0x0]  }
0x2: {  	s1 =	rddreg [dreg:$0x1]  }
0x3: {  	s5 =	rddreg [dreg:$0x2]  }
0x4: {  	s0 =	rddreg [dreg:$0x3];
	s6 =	srdreg.scid  }
0x5: {  	s3 =	simm.s32 $0x0;
	s2 =	stileid.u32;
	s10 =	simm.s32 $0xC00  }
0x6: {  	s11 =	simm.s32 $0xC80;
	s12 =	simm.s32 $0x400;
	s13 =	simm.s32 $0x0  }
0x7: {  	s6 =	sand.u32 $0x1, s6;
	s8 =	sshll.u32 s2, $0x8;
	[smem:$0x7FF] =	sst s3  }
0x8: {  	s7 =	ssub.s32 $0x2, s6;
	s6 =	sshll.u32 s6, $0x7;
	_ =	strace $0x80000047  }
0x9: {  	s9 =	sshrl.u32 s7, $0x1;
	s6 =	sor.u32 s6, s8;
	s8 =	simm.s32 $0x2  }
0xa: {  	s7 =	ssub.s32 s7, s9;
	s4 =	sadd.s32 s4, s6;
	s5 =	sadd.s32 s5, s6  }
0xb: {  	s9 =	simm.s32 $0x1;
	s6 =	smax.u32 s7, $0x1;
	s7 =	simm.s32 $0x800  }
.LBB2_1:
0xc: {  	[tilespmem:s3], [sflag:$0x1] =	stream.linear.gather [hbm4b:s4+s3], $0x400, $0x38;
	[tilespmem:$0xD00] =	vst v63  }
0xd: {  	_ = 	snop  }
0xe: {  	[tilespmem:s7], [sflag:$0x2] =	stream.linear.gather [hbm4b:s1+s3], $0x280, $0x38;
	[tilespmem:$0xD00] =	vst v63  }
0xf: {  	_ =	swait.ge [sflag:s8], $0x280  }
0x10: {  	[sflag:s8] =	ssyncset.done $0x0  }
0x11: {  	[sflag:s8] =	ssyncadd.s32 $0xFFFFFD80  }
0x12: {  	v0 =	vld [tilespmem:$0x800]  }
0x13: {  	v3 =	vld [tilespmem:$0x880]  }
0x14: {  	v7 =	vld [tilespmem:$0x900]  }
0x15: {  	v10 =	vld [tilespmem:$0x980]  }
0x16: {  	v12 =	vld [tilespmem:$0xA00]  }
0x17: {  	v1 =	vmul.f32 v0, v0;
	_ =	sdelay $0x1  }
0x18: {  	v5 =	vmul.f32 v3, v3;
	v2 =	vmul.f32 $5.511464000e-07, v1  }
0x19: {  	v9 =	vmul.f32 v7, v7;
	v39 =	vmul.f32 v10, v10  }
0x1a: {  	v14 =	vmul.f32 v12, v12;
	v4 =	vmul.f32 $4.960317260e-06, v1;
	v2 =	vadd.f32 $-3.968253800e-05, v2  }
0x1b: {  	v6 =	vmul.f32 $5.511464000e-07, v5;
	v8 =	vmul.f32 $4.960317260e-06, v5  }
0x1c: {  	v11 =	vmul.f32 $5.511464000e-07, v9;
	v2 =	vmul.f32 v2, v1  }
0x1d: {  	v38 =	vmul.f32 $4.960317260e-06, v9;
	v13 =	vmul.f32 $5.511464000e-07, v39;
	v4 =	vadd.f32 $-2.777777850e-04, v4  }
0x1e: {  	v43 =	vmul.f32 $5.511464000e-07, v14;
	v8 =	vadd.f32 $-2.777777850e-04, v8;
	v2 =	vadd.f32 $1.666666710e-03, v2  }
0x1f: {  	v45 =	vmul.f32 $4.960317260e-06, v39;
	v6 =	vadd.f32 $-3.968253800e-05, v6;
	v4 =	vmul.f32 v4, v1  }
0x20: {  	v42 =	vadd.f32 $-3.968253800e-05, v13;
	v8 =	vmul.f32 v8, v5;
	v2 =	vmul.f32 v2, v1  }
0x21: {  	v13 =	vadd.f32 $-3.968253800e-05, v43;
	v6 =	vmul.f32 v6, v5;
	v4 =	vadd.f32 $8.333333770e-03, v4  }
0x22: {  	v15 =	vmul.f32 $4.960317260e-06, v14;
	v8 =	vadd.f32 $8.333333770e-03, v8;
	v2 =	vadd.f32 $-3.333333510e-02, v2  }
0x23: {  	v13 =	vmul.f32 v13, v14;
	v6 =	vadd.f32 $1.666666710e-03, v6;
	v4 =	vmul.f32 v4, v1  }
0x24: {  	v37 =	vmul.f32 v8, v5;
	v8 =	vadd.f32 $-2.777777850e-04, v38;
	v2 =	vmul.f32 v2, v1  }
0x25: {  	v36 =	vadd.f32 $-3.968253800e-05, v11;
	v6 =	vmul.f32 v6, v5;
	v4 =	vadd.f32 $-1.000000010e-01, v4  }
0x26: {  	v13 =	vadd.f32 $1.666666710e-03, v13;
	v41 =	vmul.f32 v8, v9;
	v2 =	vadd.f32 $2.000000030e-01, v2  }
0x27: {  	v6 =	vadd.f32 $-3.333333510e-02, v6;
	v8 =	vmul.f32 v42, v39;
	v1 =	vmul.f32 v4, v1  }
0x28: {  	v4 =	vadd.f32 $-1.000000010e-01, v37;
	v0 =	vmul.f32 v2, v0;
	v2 =	vmul.f32 v36, v9  }
0x29: {  	v48 =	vmul.f32 v13, v14;
	v6 =	vmul.f32 v6, v5;
	v8 =	vadd.f32 $1.666666710e-03, v8  }
0x2a: {  	v44 =	vadd.f32 $8.333333770e-03, v41;
	v4 =	vmul.f32 v4, v5;
	v2 =	vadd.f32 $1.666666710e-03, v2  }
0x2b: {  	v40 =	vadd.f32 $2.000000030e-01, v6;
	v6 =	vadd.f32 $-2.777777850e-04, v45;
	v8 =	vmul.f32 v8, v39  }
0x2c: {  	v15 =	vadd.f32 $-2.777777850e-04, v15;
	v5 =	vmul.f32 v44, v9;
	v2 =	vmul.f32 v2, v9  }
0x2d: {  	v6 =	vmul.f32 v6, v39;
	v47 =	vadd.f32 $-3.333333510e-02, v8;
	v8 =	vadd.f32 $-3.333333510e-02, v48  }
0x2e: {  	v46 =	vmul.f32 v15, v14;
	v5 =	vadd.f32 $-1.000000010e-01, v5;
	v2 =	vadd.f32 $-3.333333510e-02, v2  }
0x2f: {  	v1 =	vadd.f32 $2.000000030e-01, v1;
	v6 =	vadd.f32 $8.333333770e-03, v6;
	v54 =	vmul.f32 v8, v14  }
0x30: {  	v49 =	vadd.f32 $2.000000030e-01, v4;
	v5 =	vmul.f32 v5, v9;
	v2 =	vmul.f32 v2, v9  }
0x31: {  	v6 =	vmul.f32 v6, v39;
	v59 =	vadd.f32 $2.000000030e-01, v54;
	v9 =	vadd.f32 $8.333333770e-03, v46  }
0x32: {  	v3 =	vmul.f32 v40, v3;
	v0 =	vadd.f32 $1.000000000e+00, v0;
	v2 =	vadd.f32 $2.000000030e-01, v2  }
0x33: {  	[tilespmem:$0xC00] =	vst v1;
	v50 =	vadd.f32 $-1.000000010e-01, v6;
	v61 =	vmul.f32 v59, v12;
	v51 =	vmul.f32 v9, v14  }
0x34: {  	v52 =	vadd.f32 $1.000000000e+00, v3;
	[tilespmem:$0xC10] =	vst v49;
	v2 =	vmul.f32 v2, v7;
	v7 =	vmul.f32 v47, v39  }
0x35: {  	[tilespmem:$0xC80] =	vst v0;
	v56 =	vadd.f32 $2.000000030e-01, v5;
	v55 =	vmul.f32 v50, v39;
	v57 =	vadd.f32 $-1.000000010e-01, v51  }
0x36: {  	[tilespmem:$0xC90] =	vst v52;
	v63 =	vadd.f32 $1.000000000e+00, v61;
	v53 =	vadd.f32 $2.000000030e-01, v7  }
0x37: {  	[tilespmem:$0xC20] =	vst v56;
	v1 =	vadd.f32 $2.000000030e-01, v55;
	v60 =	vmul.f32 v57, v14  }
0x38: {  	[tilespmem:$0xCC0] =	vst v63;
	v2 =	vadd.f32 $1.000000000e+00, v2;
	v58 =	vmul.f32 v53, v10  }
0x39: {  	[tilespmem:$0xC30] =	vst v1;
	v62 =	vadd.f32 $2.000000030e-01, v60  }
0x3a: {  	[tilespmem:$0xCA0] =	vst v2;
	v0 =	vadd.f32 $1.000000000e+00, v58  }
0x3b: {  	[tilespmem:$0xC40] =	vst v62  }
0x3c: {  	[tilespmem:$0xCB0] =	vst v0  }
0x3d: {  	_ =	swait.ge [sflag:s9], $0x400  }
0x3e: {  	[sflag:s9] =	ssyncset.done $0x0  }
0x3f: {  	s14 =	simm.s32 $0x0;
	[sflag:s9] =	ssyncadd.s32 $0xFFFFFC00  }
.LBB2_2:
0x40: {  	s15 =	sshra.s32 s14, $0x2  }
0x41: {  	v0 =	vld [tilespmem:s15+$0x0];
	_ =	sdelay $0x1  }
0x42: {  	v2 =	vld [tilespmem:s15+$0x10];
	_ =	sdelay $0x2  }
0x43: {  	v1 =	vmul.f32 $8.000000000e+00, v0;
	_ =	sdelay $0x1  }
0x44: {  	v3 =	vmul.f32 $8.000000000e+00, v2;
	v1 =	vadd.f32 $1.258292000e+07, v1;
	_ =	sdelay $0x1  }
0x45: {  	v3 =	vadd.f32 $1.258292000e+07, v3;
	v1 =	vadd.f32 $-1.258291200e+07, v1;
	_ =	sdelay $0x1  }
0x46: {  	v3 =	vadd.f32 $-1.258291200e+07, v3;
	v1 =	vmax.f32 v1, $0.0e+00  }
0x47: {  	v1 =	vmin.f32 v1, $1.500000000e+01  }
0x48: {  	v3 =	vmax.f32 v3, $0.0e+00;
	v1 =	vtrunc.f32 v1  }
0x49: {  	v3 =	vmin.f32 v3, $1.500000000e+01;
	v1 =	vcvt.f32.s32 v1  }
0x4a: {  	v3 =	vtrunc.f32 v3  }
0x4b: {  	v3 =	vcvt.f32.s32 v3;
	_ =	sdelay $0x3  }
0x4c: {  	v4 =	vld.idx.msk [tilespmem:v1+s11+$0x0], $0xffff  }
0x4d: {  	v1 =	vld.idx.msk [tilespmem:v1+s10+$0x0], $0xffff  }
0x4e: {  	v5 =	vld.idx.msk [tilespmem:v3+s11+$0x0], $0xffff;
	_ =	sdelay $0x1  }
0x4f: {  	v3 =	vld.idx.msk [tilespmem:v3+s10+$0x0], $0xffff  }
0x50: {  	v0 =	vmul.f32 v4, v0;
	_ =	sdelay $0x1  }
0x51: {  	v26 =	vld [tilespmem:s15+$0x20];
	v2 =	vmul.f32 v5, v2;
	v0 =	vadd.f32 v0, v1;
	_ =	sdelay $0x1  }
0x52: {  	v2 =	vadd.f32 v2, v3;
	v27 =	vmul.f32 $8.000000000e+00, v0;
	_ =	sdelay $0x1  }
0x53: {  	v31 =	vmul.f32 $8.000000000e+00, v2;
	v4 =	vadd.f32 $1.258293600e+07, v27  }
0x54: {  	v6 =	vmul.f32 $8.000000000e+00, v26  }
0x55: {  	v5 =	vadd.f32 $1.258293600e+07, v31;
	v4 =	vadd.f32 $-1.258291200e+07, v4  }
0x56: {  	v6 =	vadd.f32 $1.258292000e+07, v6  }
0x57: {  	v5 =	vadd.f32 $-1.258291200e+07, v5;
	v4 =	vmax.f32 v4, $1.600000000e+01  }
0x58: {  	v28 =	vadd.f32 $-1.258291200e+07, v6;
	v4 =	vmin.f32 v4, $3.100000000e+01  }
0x59: {  	v5 =	vmax.f32 v5, $1.600000000e+01;
	v4 =	vtrunc.f32 v4  }
0x5a: {  	v30 =	vmax.f32 v28, $0.0e+00;
	v5 =	vmin.f32 v5, $3.100000000e+01;
	v29 =	vcvt.f32.s32 v4  }
0x5b: {  	v7 =	vld [tilespmem:s15+$0x30];
	v5 =	vtrunc.f32 v5;
	v4 =	vmin.f32 v30, $1.500000000e+01  }
0x5c: {  	v39 =	vld [tilespmem:s15+$0x40];
	v5 =	vcvt.f32.s32 v5;
	v4 =	vtrunc.f32 v4  }
0x5d: {  	v10 =	vld [tilespmem:s15+$0x50];
	v4 =	vcvt.f32.s32 v4  }
0x5e: {  	v11 =	vld [tilespmem:s15+$0x60]  }
0x5f: {  	v12 =	vld [tilespmem:s15+$0x70]  }
0x60: {  	v32 =	vld.idx.msk [tilespmem:v29+s11+$0x0], $0xffff  }
0x61: {  	v3 =	vld.idx.msk [tilespmem:v29+s10+$0x0], $0xffff  }
0x62: {  	v36 =	vld.idx.msk [tilespmem:v5+s11+$0x0], $0xffff  }
0x63: {  	v14 =	vmul.f32 $8.000000000e+00, v11;
	v8 =	vld.idx.msk [tilespmem:v4+s11+$0x0], $0xffff  }
0x64: {  	v33 =	vmul.f32 $8.000000000e+00, v7;
	v43 =	vmul.f32 $8.000000000e+00, v39;
	v5 =	vld.idx.msk [tilespmem:v5+s10+$0x0], $0xffff  }
0x65: {  	v16 =	vmul.f32 $8.000000000e+00, v12;
	v14 =	vadd.f32 $1.258292000e+07, v14;
	v4 =	vld.idx.msk [tilespmem:v4+s10+$0x0], $0xffff  }
0x66: {  	v47 =	vmul.f32 $8.000000000e+00, v10;
	v34 =	vadd.f32 $1.258292000e+07, v33;
	v46 =	vadd.f32 $1.258292000e+07, v43  }
0x67: {  	v16 =	vadd.f32 $1.258292000e+07, v16;
	v14 =	vadd.f32 $-1.258291200e+07, v14;
	v0 =	vmul.f32 v32, v0  }
0x68: {  	v37 =	vadd.f32 $-1.258291200e+07, v34;
	v2 =	vmul.f32 v36, v2;
	v1 =	vmul.f32 v8, v26  }
0x69: {  	v16 =	vadd.f32 $-1.258291200e+07, v16;
	v14 =	vmax.f32 v14, $0.0e+00;
	v0 =	vadd.f32 v0, v3  }
0x6a: {  	v44 =	vadd.f32 v2, v5;
	v4 =	vadd.f32 v1, v4;
	v1 =	vmax.f32 v37, $0.0e+00  }
0x6b: {  	v5 =	vadd.f32 $1.258292000e+07, v47;
	v35 =	vmul.f32 $8.000000000e+00, v0;
	v1 =	vmin.f32 v1, $1.500000000e+01  }
0x6c: {  	v16 =	vmax.f32 v16, $0.0e+00;
	v9 =	vmul.f32 $8.000000000e+00, v4;
	v1 =	vtrunc.f32 v1  }
0x6d: {  	v5 =	vadd.f32 $-1.258291200e+07, v5;
	v38 =	vadd.f32 $1.258295200e+07, v35;
	v40 =	vcvt.f32.s32 v1  }
0x6e: {  	v14 =	vmin.f32 v14, $1.500000000e+01;
	v52 =	vmin.f32 v16, $1.500000000e+01;
	v9 =	vadd.f32 $1.258293600e+07, v9  }
0x6f: {  	v51 =	vtrunc.f32 v14;
	v5 =	vmax.f32 v5, $0.0e+00;
	v3 =	vadd.f32 $-1.258291200e+07, v38  }
0x70: {  	v14 =	vtrunc.f32 v52;
	v5 =	vmin.f32 v5, $1.500000000e+01;
	v42 =	vadd.f32 $-1.258291200e+07, v9  }
0x71: {  	v14 =	vcvt.f32.s32 v14;
	v5 =	vtrunc.f32 v5;
	v3 =	vmax.f32 v3, $3.200000000e+01  }
0x72: {  	v41 =	vmin.f32 v3, $4.700000000e+01;
	v3 =	vadd.f32 $-1.258291200e+07, v46;
	v45 =	vmax.f32 v42, $1.600000000e+01  }
0x73: {  	v5 =	vcvt.f32.s32 v5;
	v2 =	vmin.f32 v45, $3.100000000e+01;
	v15 =	vld.idx.msk [tilespmem:v40+s11+$0x0], $0xffff  }
0x74: {  	v3 =	vmax.f32 v3, $0.0e+00;
	v2 =	vtrunc.f32 v2  }
0x75: {  	v8 =	vld.idx.msk [tilespmem:v40+s10+$0x0], $0xffff;
	v3 =	vmin.f32 v3, $1.500000000e+01;
	v2 =	vcvt.f32.s32 v2  }
0x76: {  	v49 =	vmul.f32 $8.000000000e+00, v44;
	v3 =	vtrunc.f32 v3  }
0x77: {  	v13 =	vtrunc.f32 v41;
	v3 =	vcvt.f32.s32 v3  }
0x78: {  	v56 =	vld.idx.msk [tilespmem:v14+s11+$0x0], $0xffff;
	v48 =	vcvt.f32.s32 v13;
	v7 =	vmul.f32 v15, v7  }
0x79: {  	v54 =	vld.idx.msk [tilespmem:v5+s11+$0x0], $0xffff  }
0x7a: {  	v13 =	vadd.f32 $1.258295200e+07, v49;
	v5 =	vld.idx.msk [tilespmem:v5+s10+$0x0], $0xffff;
	v7 =	vadd.f32 v7, v8;
	v8 =	vcvt.f32.s32 v51  }
0x7b: {  	v53 =	vld.idx.msk [tilespmem:v2+s10+$0x0], $0xffff  }
0x7c: {  	v13 =	vadd.f32 $-1.258291200e+07, v13;
	v2 =	vld.idx.msk [tilespmem:v2+s11+$0x0], $0xffff  }
0x7d: {  	v17 =	vmul.f32 $8.000000000e+00, v7;
	v18 =	vld.idx.msk [tilespmem:v3+s11+$0x0], $0xffff  }
0x7e: {  	v13 =	vmax.f32 v13, $3.200000000e+01;
	v9 =	vld.idx.msk [tilespmem:v48+s11+$0x0], $0xffff  }
0x7f: {  	v13 =	vmin.f32 v13, $4.700000000e+01;
	v57 =	vmul.f32 v54, v10;
	v3 =	vld.idx.msk [tilespmem:v3+s10+$0x0], $0xffff;
	v17 =	vadd.f32 $1.258293600e+07, v17  }
0x80: {  	v63 =	vmul.f32 v56, v12;
	v59 =	vtrunc.f32 v13;
	v55 =	vld.idx.msk [tilespmem:v8+s11+$0x0], $0xffff  }
0x81: {  	v50 =	vld.idx.msk [tilespmem:v48+s10+$0x0], $0xffff;
	v20 =	vcvt.f32.s32 v59;
	v5 =	vadd.f32 v57, v5;
	v17 =	vadd.f32 $-1.258291200e+07, v17  }
0x82: {  	v8 =	vld.idx.msk [tilespmem:v8+s10+$0x0], $0xffff;
	v2 =	vmul.f32 v2, v4;
	v6 =	vmul.f32 v18, v39  }
0x83: {  	v58 =	vld.idx.msk [tilespmem:v14+s10+$0x0], $0xffff;
	v0 =	vmul.f32 v9, v0;
	v18 =	vmul.f32 $8.000000000e+00, v5;
	v17 =	vmax.f32 v17, $1.600000000e+01  }
0x84: {  	v2 =	vadd.f32 v2, v53;
	v17 =	vmin.f32 v17, $3.100000000e+01;
	v3 =	vadd.f32 v6, v3  }
0x85: {  	v22 =	vadd.f32 $1.258293600e+07, v18;
	v17 =	vtrunc.f32 v17;
	v62 =	vmul.f32 v55, v11  }
0x86: {  	v0 =	vadd.f32 v0, v50;
	v24 =	vmul.f32 $8.000000000e+00, v2;
	v60 =	vcvt.f32.s32 v17  }
0x87: {  	v61 =	vmul.f32 $8.000000000e+00, v3;
	v10 =	vadd.f32 $-1.258291200e+07, v22;
	v6 =	vadd.f32 v62, v8  }
0x88: {  	v4 =	vadd.f32 v63, v58;
	v19 =	vmul.f32 $8.000000000e+00, v0;
	v12 =	vadd.f32 $1.258295200e+07, v24  }
0x89: {  	v17 =	vadd.f32 $1.258293600e+07, v61;
	v10 =	vmax.f32 v10, $1.600000000e+01;
	v23 =	vmul.f32 $8.000000000e+00, v6  }
0x8a: {  	v26 =	vmul.f32 $8.000000000e+00, v4;
	v10 =	vmin.f32 v10, $3.100000000e+01;
	v12 =	vadd.f32 $-1.258291200e+07, v12  }
0x8b: {  	v21 =	vadd.f32 $-1.258291200e+07, v17;
	v10 =	vtrunc.f32 v10;
	v11 =	vadd.f32 $1.258293600e+07, v23  }
0x8c: {  	v15 =	vadd.f32 $1.258293600e+07, v26;
	v10 =	vcvt.f32.s32 v10;
	v12 =	vmax.f32 v12, $3.200000000e+01;
	v25 =	vld.idx.msk [tilespmem:v60+s11+$0x0], $0xffff  }
0x8d: {  	v9 =	vmax.f32 v21, $1.600000000e+01;
	v12 =	vmin.f32 v12, $4.700000000e+01;
	v11 =	vadd.f32 $-1.258291200e+07, v11  }
0x8e: {  	v15 =	vadd.f32 $-1.258291200e+07, v15;
	v13 =	vld.idx.msk [tilespmem:v60+s10+$0x0], $0xffff;
	v9 =	vmin.f32 v9, $3.100000000e+01;
	v12 =	vtrunc.f32 v12  }
0x8f: {  	v9 =	vtrunc.f32 v9;
	v12 =	vcvt.f32.s32 v12;
	v11 =	vmax.f32 v11, $1.600000000e+01  }
0x90: {  	v27 =	vmax.f32 v15, $1.600000000e+01;
	v9 =	vcvt.f32.s32 v9;
	v11 =	vmin.f32 v11, $3.100000000e+01  }
0x91: {  	v28 =	vld.idx.msk [tilespmem:v20+s10+$0x0], $0xffff;
	v14 =	vmin.f32 v27, $3.100000000e+01;
	v7 =	vmul.f32 v25, v7;
	v11 =	vtrunc.f32 v11  }
0x92: {  	v8 =	vld.idx.msk [tilespmem:v20+s11+$0x0], $0xffff;
	v29 =	vtrunc.f32 v14;
	v11 =	vcvt.f32.s32 v11  }
0x93: {  	v30 =	vadd.f32 $1.258296800e+07, v19;
	v33 =	vld.idx.msk [tilespmem:v10+s11+$0x0], $0xffff;
	v7 =	vadd.f32 v7, v13;
	v13 =	vcvt.f32.s32 v29  }
0x94: {  	v10 =	vld.idx.msk [tilespmem:v10+s10+$0x0], $0xffff  }
0x95: {  	v14 =	vadd.f32 $-1.258291200e+07, v30;
	v38 =	vld.idx.msk [tilespmem:v12+s11+$0x0], $0xffff  }
0x96: {  	v32 =	vld.idx.msk [tilespmem:v9+s11+$0x0], $0xffff  }
0x97: {  	v14 =	vmax.f32 v14, $4.800000000e+01;
	v1 =	vmul.f32 v8, v44;
	v31 =	vmul.f32 $8.000000000e+00, v7;
	v9 =	vld.idx.msk [tilespmem:v9+s10+$0x0], $0xffff  }
0x98: {  	v14 =	vmin.f32 v14, $6.300000000e+01;
	v5 =	vmul.f32 v33, v5;
	v34 =	vld.idx.msk [tilespmem:v11+s11+$0x0], $0xffff  }
0x99: {  	v14 =	vtrunc.f32 v14;
	v1 =	vadd.f32 v1, v28;
	v16 =	vadd.f32 $1.258295200e+07, v31;
	v35 =	vld.idx.msk [tilespmem:v13+s11+$0x0], $0xffff  }
0x9a: {  	v43 =	vcvt.f32.s32 v14;
	v5 =	vadd.f32 v5, v10;
	v11 =	vld.idx.msk [tilespmem:v11+s10+$0x0], $0xffff  }
0x9b: {  	v44 =	vmul.f32 $8.000000000e+00, v1;
	v16 =	vadd.f32 $-1.258291200e+07, v16;
	v36 =	vld.idx.msk [tilespmem:v13+s10+$0x0], $0xffff;
	v3 =	vmul.f32 v32, v3  }
0x9c: {  	v2 =	vmul.f32 v38, v2;
	v42 =	vmul.f32 $8.000000000e+00, v5  }
0x9d: {  	v40 =	vld.idx.msk [tilespmem:v12+s10+$0x0], $0xffff;
	v16 =	vmax.f32 v16, $3.200000000e+01;
	v3 =	vadd.f32 v3, v9;
	v6 =	vmul.f32 v34, v6  }
0x9e: {  	v16 =	vmin.f32 v16, $4.700000000e+01;
	v46 =	vadd.f32 $1.258295200e+07, v42;
	v4 =	vmul.f32 v35, v4  }
0x9f: {  	v37 =	vtrunc.f32 v16;
	v39 =	vmul.f32 $8.000000000e+00, v3;
	v6 =	vadd.f32 v6, v11  }
0xa0: {  	v8 =	vcvt.f32.s32 v37;
	v12 =	vadd.f32 $-1.258291200e+07, v46;
	v4 =	vadd.f32 v4, v36  }
0xa1: {  	v14 =	vadd.f32 $1.258296800e+07, v44;
	v41 =	vadd.f32 $1.258295200e+07, v39;
	v47 =	vmul.f32 $8.000000000e+00, v6  }
0xa2: {  	v2 =	vadd.f32 v2, v40;
	v12 =	vmax.f32 v12, $3.200000000e+01;
	v48 =	vmul.f32 $8.000000000e+00, v4  }
0xa3: {  	v12 =	vmin.f32 v12, $4.700000000e+01;
	v45 =	vadd.f32 $-1.258291200e+07, v41;
	v15 =	vadd.f32 $1.258295200e+07, v47  }
0xa4: {  	v50 =	vmul.f32 $8.000000000e+00, v2;
	v12 =	vtrunc.f32 v12;
	v13 =	vadd.f32 $1.258295200e+07, v48  }
0xa5: {  	v12 =	vcvt.f32.s32 v12;
	v9 =	vmax.f32 v45, $3.200000000e+01;
	v15 =	vadd.f32 $-1.258291200e+07, v15  }
0xa6: {  	v14 =	vadd.f32 $-1.258291200e+07, v14;
	v49 =	vld.idx.msk [tilespmem:v8+s11+$0x0], $0xffff;
	v9 =	vmin.f32 v9, $4.700000000e+01;
	v13 =	vadd.f32 $-1.258291200e+07, v13  }
0xa7: {  	v55 =	vadd.f32 $1.258296800e+07, v50;
	v9 =	vtrunc.f32 v9;
	v15 =	vmax.f32 v15, $3.200000000e+01  }
0xa8: {  	v8 =	vld.idx.msk [tilespmem:v8+s10+$0x0], $0xffff;
	v9 =	vcvt.f32.s32 v9;
	v13 =	vmax.f32 v13, $3.200000000e+01;
	v15 =	vmin.f32 v15, $4.700000000e+01  }
0xa9: {  	v54 =	vmax.f32 v14, $4.800000000e+01;
	v13 =	vmin.f32 v13, $4.700000000e+01;
	v51 =	vtrunc.f32 v15  }
0xaa: {  	v52 =	vld.idx.msk [tilespmem:v43+s10+$0x0], $0xffff;
	v14 =	vadd.f32 $-1.258291200e+07, v55;
	v13 =	vtrunc.f32 v13;
	v10 =	vcvt.f32.s32 v51  }
0xab: {  	v7 =	vmul.f32 v49, v7;
	v58 =	vld.idx.msk [tilespmem:v12+s11+$0x0], $0xffff;
	v53 =	vcvt.f32.s32 v13  }
0xac: {  	v11 =	vld.idx.msk [tilespmem:v43+s11+$0x0], $0xffff;
	v14 =	vmax.f32 v14, $4.800000000e+01  }
0xad: {  	v14 =	vmin.f32 v14, $6.300000000e+01;
	v12 =	vld.idx.msk [tilespmem:v12+s10+$0x0], $0xffff;
	v7 =	vadd.f32 v7, v8  }
0xae: {  	v14 =	vtrunc.f32 v14;
	v56 =	vld.idx.msk [tilespmem:v9+s11+$0x0], $0xffff  }
0xaf: {  	v61 =	vcvt.f32.s32 v14;
	v13 =	vmin.f32 v54, $6.300000000e+01;
	v57 =	vmul.f32 $8.000000000e+00, v7;
	v9 =	vld.idx.msk [tilespmem:v9+s10+$0x0], $0xffff  }
0xb0: {  	v13 =	vtrunc.f32 v13;
	v5 =	vmul.f32 v58, v5;
	v59 =	vld.idx.msk [tilespmem:v10+s11+$0x0], $0xffff  }
0xb1: {  	v13 =	vcvt.f32.s32 v13;
	v17 =	vadd.f32 $1.258296800e+07, v57;
	v60 =	vld.idx.msk [tilespmem:v53+s11+$0x0], $0xffff  }
0xb2: {  	v0 =	vmul.f32 v11, v0;
	v5 =	vadd.f32 v5, v12;
	v10 =	vld.idx.msk [tilespmem:v10+s10+$0x0], $0xffff  }
0xb3: {  	v17 =	vadd.f32 $-1.258291200e+07, v17;
	v8 =	vld.idx.msk [tilespmem:v53+s10+$0x0], $0xffff;
	v3 =	vmul.f32 v56, v3  }
0xb4: {  	v0 =	vadd.f32 v0, v52;
	v23 =	vmul.f32 $8.000000000e+00, v5  }
0xb5: {  	v29 =	vld.idx.msk [tilespmem:v61+s11+$0x0], $0xffff;
	v17 =	vmax.f32 v17, $4.800000000e+01;
	v3 =	vadd.f32 v3, v9;
	v6 =	vmul.f32 v59, v6  }
0xb6: {  	v62 =	vmin.f32 v17, $6.300000000e+01;
	v26 =	vadd.f32 $1.258296800e+07, v23;
	v4 =	vmul.f32 v60, v4  }
0xb7: {  	v63 =	vld.idx.msk [tilespmem:v13+s11+$0x0], $0xffff;
	v11 =	vtrunc.f32 v62;
	v20 =	vmul.f32 $8.000000000e+00, v3;
	v6 =	vadd.f32 v6, v10  }
0xb8: {  	v24 =	vmul.f32 $8.000000000e+00, v0;
	v11 =	vcvt.f32.s32 v11;
	v4 =	vadd.f32 v4, v8  }
0xb9: {  	v21 =	vld.idx.msk [tilespmem:v13+s10+$0x0], $0xffff;
	v13 =	vadd.f32 $-1.258291200e+07, v26;
	v22 =	vadd.f32 $1.258296800e+07, v20;
	v27 =	vmul.f32 $8.000000000e+00, v6  }
0xba: {  	v2 =	vmul.f32 v29, v2;
	v9 =	vld.idx.msk [tilespmem:v61+s10+$0x0], $0xffff;
	v28 =	vmul.f32 $8.000000000e+00, v4  }
0xbb: {  	v13 =	vmax.f32 v13, $4.800000000e+01;
	v25 =	vadd.f32 $-1.258291200e+07, v22;
	v15 =	vadd.f32 $1.258296800e+07, v27  }
0xbc: {  	v1 =	vmul.f32 v63, v1;
	v13 =	vmin.f32 v13, $6.300000000e+01;
	v14 =	vadd.f32 $1.258296800e+07, v28  }
0xbd: {  	v13 =	vtrunc.f32 v13;
	v8 =	vmax.f32 v25, $4.800000000e+01;
	v15 =	vadd.f32 $-1.258291200e+07, v15  }
0xbe: {  	v13 =	vcvt.f32.s32 v13;
	v8 =	vmin.f32 v8, $6.300000000e+01;
	v14 =	vadd.f32 $-1.258291200e+07, v14  }
0xbf: {  	v2 =	vadd.f32 v2, v9;
	v31 =	vld.idx.msk [tilespmem:v11+s11+$0x0], $0xffff;
	v8 =	vtrunc.f32 v8;
	v15 =	vmax.f32 v15, $4.800000000e+01  }
0xc0: {  	v8 =	vcvt.f32.s32 v8;
	v14 =	vmax.f32 v14, $4.800000000e+01;
	v15 =	vmin.f32 v15, $6.300000000e+01  }
0xc1: {  	v36 =	vmul.f32 $8.000000000e+00, v2;
	v11 =	vld.idx.msk [tilespmem:v11+s10+$0x0], $0xffff;
	v14 =	vmin.f32 v14, $6.300000000e+01;
	v32 =	vtrunc.f32 v15  }
0xc2: {  	v10 =	vadd.f32 $1.258298400e+07, v24;
	v14 =	vtrunc.f32 v14;
	v12 =	vcvt.f32.s32 v32  }
0xc3: {  	v1 =	vadd.f32 v1, v21;
	v33 =	vcvt.f32.s32 v14  }
0xc4: {  	v10 =	vadd.f32 $-1.258291200e+07, v10;
	v16 =	vadd.f32 $1.258298400e+07, v36;
	v7 =	vmul.f32 v31, v7;
	v37 =	vld.idx.msk [tilespmem:v13+s11+$0x0], $0xffff  }
0xc5: {  	v30 =	vmul.f32 $8.000000000e+00, v1;
	v13 =	vld.idx.msk [tilespmem:v13+s10+$0x0], $0xffff  }
0xc6: {  	v10 =	vmax.f32 v10, $6.400000000e+01;
	v16 =	vadd.f32 $-1.258291200e+07, v16;
	v7 =	vadd.f32 v7, v11;
	v35 =	vld.idx.msk [tilespmem:v8+s11+$0x0], $0xffff  }
0xc7: {  	v10 =	vmin.f32 v10, $7.900000000e+01;
	v34 =	vadd.f32 $1.258298400e+07, v30;
	v8 =	vld.idx.msk [tilespmem:v8+s10+$0x0], $0xffff  }
0xc8: {  	v10 =	vtrunc.f32 v10;
	v16 =	vmax.f32 v16, $6.400000000e+01;
	v38 =	vmul.f32 $8.000000000e+00, v7;
	v39 =	vld.idx.msk [tilespmem:v12+s11+$0x0], $0xffff  }
0xc9: {  	v43 =	vmin.f32 v16, $7.900000000e+01;
	v14 =	vadd.f32 $-1.258291200e+07, v34;
	v5 =	vmul.f32 v37, v5;
	v40 =	vld.idx.msk [tilespmem:v33+s11+$0x0], $0xffff  }
0xca: {  	v10 =	vcvt.f32.s32 v10;
	v11 =	vtrunc.f32 v43;
	v17 =	vadd.f32 $1.258298400e+07, v38;
	v12 =	vld.idx.msk [tilespmem:v12+s10+$0x0], $0xffff  }
0xcb: {  	v14 =	vmax.f32 v14, $6.400000000e+01;
	v5 =	vadd.f32 v5, v13;
	v41 =	vld.idx.msk [tilespmem:v33+s10+$0x0], $0xffff;
	v3 =	vmul.f32 v35, v3  }
0xcc: {  	v11 =	vcvt.f32.s32 v11;
	v14 =	vmin.f32 v14, $7.900000000e+01;
	v44 =	vadd.f32 $-1.258291200e+07, v17  }
0xcd: {  	v48 =	vmul.f32 $8.000000000e+00, v5;
	v3 =	vadd.f32 v3, v8;
	v6 =	vmul.f32 v39, v6  }
0xce: {  	v14 =	vtrunc.f32 v14;
	v46 =	vmax.f32 v44, $6.400000000e+01;
	v4 =	vmul.f32 v40, v4  }
0xcf: {  	v51 =	vadd.f32 $1.258298400e+07, v48;
	v45 =	vmul.f32 $8.000000000e+00, v3;
	v6 =	vadd.f32 v6, v12  }
0xd0: {  	v42 =	vcvt.f32.s32 v14;
	v49 =	vmin.f32 v46, $7.900000000e+01;
	v4 =	vadd.f32 v4, v41  }
0xd1: {  	v13 =	vadd.f32 $-1.258291200e+07, v51;
	v47 =	vadd.f32 $1.258298400e+07, v45;
	v52 =	vmul.f32 $8.000000000e+00, v6  }
0xd2: {  	v12 =	vtrunc.f32 v49;
	v53 =	vmul.f32 $8.000000000e+00, v4  }
0xd3: {  	v13 =	vmax.f32 v13, $6.400000000e+01;
	v50 =	vadd.f32 $-1.258291200e+07, v47;
	v14 =	vadd.f32 $1.258298400e+07, v52  }
0xd4: {  	v54 =	vld.idx.msk [tilespmem:v10+s10+$0x0], $0xffff;
	v12 =	vcvt.f32.s32 v12;
	v13 =	vmin.f32 v13, $7.900000000e+01;
	v15 =	vadd.f32 $1.258298400e+07, v53  }
0xd5: {  	v10 =	vld.idx.msk [tilespmem:v10+s11+$0x0], $0xffff;
	v13 =	vtrunc.f32 v13;
	v8 =	vmax.f32 v50, $6.400000000e+01;
	v14 =	vadd.f32 $-1.258291200e+07, v14  }
0xd6: {  	v56 =	vld.idx.msk [tilespmem:v11+s10+$0x0], $0xffff;
	v13 =	vcvt.f32.s32 v13;
	v8 =	vmin.f32 v8, $7.900000000e+01;
	v15 =	vadd.f32 $-1.258291200e+07, v15  }
0xd7: {  	v11 =	vld.idx.msk [tilespmem:v11+s11+$0x0], $0xffff;
	v8 =	vtrunc.f32 v8;
	v14 =	vmax.f32 v14, $6.400000000e+01  }
0xd8: {  	v55 =	vld.idx.msk [tilespmem:v42+s10+$0x0], $0xffff;
	v8 =	vcvt.f32.s32 v8;
	v15 =	vmax.f32 v15, $6.400000000e+01;
	v14 =	vmin.f32 v14, $7.900000000e+01  }
0xd9: {  	v9 =	vld.idx.msk [tilespmem:v42+s11+$0x0], $0xffff;
	v15 =	vmin.f32 v15, $7.900000000e+01;
	v14 =	vtrunc.f32 v14  }
0xda: {  	v57 =	vld.idx.msk [tilespmem:v12+s10+$0x0], $0xffff;
	v15 =	vtrunc.f32 v15;
	v14 =	vcvt.f32.s32 v14  }
0xdb: {  	v12 =	vld.idx.msk [tilespmem:v12+s11+$0x0], $0xffff;
	v15 =	vcvt.f32.s32 v15  }
0xdc: {  	v21 =	vld.idx.msk [tilespmem:v13+s10+$0x0], $0xffff  }
0xdd: {  	v13 =	vld.idx.msk [tilespmem:v13+s11+$0x0], $0xffff  }
0xde: {  	v20 =	vld.idx.msk [tilespmem:v8+s10+$0x0], $0xffff  }
0xdf: {  	v8 =	vld.idx.msk [tilespmem:v8+s11+$0x0], $0xffff  }
0xe0: {  	v22 =	vld.idx.msk [tilespmem:v14+s11+$0x0], $0xffff  }
0xe1: {  	v23 =	vld.idx.msk [tilespmem:v15+s11+$0x0], $0xffff  }
0xe2: {  	v0 =	vmul.f32 v10, v0;
	v2 =	vmul.f32 v11, v2;
	v58 =	vld.idx.msk [tilespmem:v14+s10+$0x0], $0xffff  }
0xe3: {  	v1 =	vmul.f32 v9, v1;
	v59 =	vld.idx.msk [tilespmem:v15+s10+$0x0], $0xffff  }
0xe4: {  	v0 =	vadd.f32 v0, v54;
	v2 =	vadd.f32 v2, v56;
	v7 =	vmul.f32 v12, v7  }
0xe5: {  	v1 =	vadd.f32 v1, v55;
	v5 =	vmul.f32 v13, v5;
	v3 =	vmul.f32 v8, v3  }
0xe6: {  	v7 =	vadd.f32 v7, v57;
	v6 =	vmul.f32 v22, v6;
	v4 =	vmul.f32 v23, v4  }
0xe7: {  	v5 =	vadd.f32 v5, v21;
	v3 =	vadd.f32 v3, v20  }
0xe8: {  	v6 =	vadd.f32 v6, v58;
	v4 =	vadd.f32 v4, v59  }
0xe9: {  	v0 =	vadd.f32 v1, v0;
	v60 =	vadd.f32 v7, v2  }
0xea: {  	v61 =	vadd.f32 v5, v3;
	v62 =	vadd.f32 v4, v6;
	_ =	sdelay $0x1  }
0xeb: {  	v0 =	vadd.f32 v60, v0;
	v63 =	vadd.f32 v62, v61;
	_ =	sdelay $0x1  }
0xec: {  	v0 =	vadd.f32 v63, v0;
	_ =	sdelay $0x1  }
0xed: {  	(xrf2) =	vadd.scan.msk.f32 $0xffff, v0;
	_ =	sdelay $0x9  }
0xee: {  	v0, _, _ =	vpop (xrf2)  }
0xef: {  	p0 =	sne.s32 s14, $0xE00;
	v0 =	vbroadcast v0, $0xF  }
.Ltmp0:
0xf0: {  	_ = 	snop;
	(pc) =	sbr.rel @p0 .LBB2_2-.Ltmp0, $4  }
0xf1: {  	[tilespmem:s15+$0x400] =	vst v0  }
0xf2: {  	[tilespmem:s15+$0x410] =	vst v0  }
0xf3: {  	[tilespmem:s15+$0x420] =	vst v0  }
0xf4: {  	s14 =	sadd.s32 $0x200, s14;
	[tilespmem:s15+$0x430] =	vst v0  }
0xf5: {  	s13 =	sadd.s32 $0x1, s13  }
0xf6: {  	p0 =	sne.s32 s13, s6  }
.Ltmp1:
0xf7: {  	_ = 	snop;
	(pc) =	sbr.rel @p0 .LBB2_1-.Ltmp1, $4  }
0xf8: {  	[hbm4b:s5+s3] =	stream.linear.scatter [tilespmem:s12], [sflag:$0x2], $0x400, $0x38;
	[tilespmem:$0xD00] =	vst v63  }
0xf9: {  	_ =	swait.ge [sflag:s8], $0x400  }
0xfa: {  	[sflag:s8] =	ssyncset.done $0x0  }
0xfb: {  	[sflag:s8] =	ssyncadd.s32 $0xFFFFFC00  }
0xfc: {  	_ =	sfence.sel $0x180000  }
0xfd: {  	[bflag:$0x0] =	sbarrier.arrive $0xFFFF  }
0xfe: {  	p0 =	sne.s32 s2, $0x0;
	_ =	strace $0x90000047  }
0xff: {  	s0 =	sadd.s32 @!p0 $0x100000, s0;
	[bflag:$0x2] =	sbarrier.arrive $0xFFFF  }
0x100: {  	[sflag:s0] =	ssyncadd.tile.s32 @!p0 $0x1;
	_ =	shalt  }
.Lfunc_end2:
_tile_overlayer_lowered:
.L_overlay_start_2:
0x101: {  	(tag) =	ssettag $0x2  }
0x102: {  	s0 =	rddreg [dreg:$0x0];
	s2 =	stileid.u32  }
0x103: {  	s1 =	rddreg [dreg:$0x1];
	p0 =	sne.s32 s2, $0x0  }
0x104: {  	s3 =	rddreg [dreg:$0x2];
	[bflag:$0x3] =	sbarrier.arrive $0xFFFF;
	s2 =	simm.s32 @!p0 $0x1C02  }
0x105: {  	[timem:s3], [sflag:s2] =	dma.local @!p0 [hbm:s0], s1  }
0x106: {  	s0 =	simm.s32 @!p0 $0x2  }
0x107: {  	_ =	swait.ge @!p0 [sflag:s0], s1  }
0x108: {  	s1 =	ssub.s32 @!p0 $0x0, s1;
	[sflag:s0] =	ssyncset.done @!p0 $0x0  }
0x109: {  	[sflag:s0] =	ssyncadd.s32 @!p0 s1  }
0x10a: {  	[bflag:$0x3] =	sbarrier.arrive $0xFFFF  }
0x10b: {  	_ =	shalt  }

</sc_bundles>
